<compile_context>
chip_gen: v7x
topology: tpu7x:2x2x1
jax: 0.10.2.dev20260603
libtpu: 0.0.44.dev20260713+nightly
codegen_flags: <defaults>
</compile_context>

<pallas_src>
import functools

import jax
import jax.numpy as jnp
from jax import lax
from jax.experimental import pallas as pl
from jax.experimental.pallas import tpu as pltpu
from jax.experimental.pallas import tpu_sc as plsc


@functools.lru_cache(maxsize=None)
def _build_lookup(B, NBITS, V, D):
    info = plsc.get_sparse_core_info()
    NC, NS, L = info.num_cores, info.num_subcores, info.num_lanes
    NW = NC * NS
    assert B % (NW * 128) == 0 and D % 8 == 0 and V % 128 == 0
    b_per_w = B // NW
    e_per_w = b_per_w * D
    TCL = b_per_w // 128
    assert TCL == 4
    TBLK = V // 128
    OBLK = B // 128
    mesh = plsc.VectorSubcoreMesh(core_axis_name="c", subcore_axis_name="s")

    @functools.partial(
        pl.kernel,
        mesh=mesh,
        out_type=jax.ShapeDtypeStruct((B * D,), jnp.float32),
        compiler_params=pltpu.CompilerParams(
            use_tc_tiling_on_sc=False, needs_layout_passes=False
        ),
        scratch_types=[
            pltpu.VMEM((NBITS, b_per_w), jnp.int32),
            pltpu.VMEM((b_per_w,), jnp.int32),
            pltpu.VMEM((e_per_w,), jnp.int32),
            pltpu.VMEM((e_per_w,), jnp.float32),
            pltpu.SemaphoreType.DMA,
            pltpu.SemaphoreType.DMA,
            pltpu.SemaphoreType.DMA,
            pltpu.SemaphoreType.DMA,
            pltpu.SemaphoreType.DMA,
        ],
    )
    def lookup(bits_hbm, wflat_hbm, out_hbm, bits_v, p_v, eidx_v, gath_v,
               sem, g0, g1, g2, g3):
        wid = lax.axis_index("s") * NC + lax.axis_index("c")
        base = wid * b_per_w
        gsems = [g0, g1, g2, g3]
        q_elems = e_per_w // TCL

        pltpu.sync_copy(bits_hbm.at[:, pl.ds(base, b_per_w)], bits_v)

        gcps = []
        for tcl in range(TCL):
            @pl.loop(tcl * (128 // L), (tcl + 1) * (128 // L))
            def _convert(i):
                v = bits_v[0, pl.ds(i * L, L)]
                for j in range(1, NBITS):
                    v = v + v + bits_v[j, pl.ds(i * L, L)]
                p_v[pl.ds(i * L, L)] = (v >> 7) * 1024 + (v & 127)

            p_chunks = [
                p_v[pl.ds(tcl * 128 + ch * L, L)] for ch in range(128 // L)
            ]

            @pl.loop(0, D)
            def _build(rc):
                off = (rc >> 3) * (TBLK * 1024) + (rc & 7) * 128
                offv = jnp.full((L,), off, jnp.int32)
                qbase = (tcl * D + rc) * 128
                for ch in range(128 // L):
                    eidx_v[pl.ds(qbase + ch * L, L)] = offv + p_chunks[ch]

            gcps.append(
                pltpu.async_copy(
                    wflat_hbm.at[eidx_v.at[pl.ds(tcl * q_elems, q_elems)]],
                    gath_v.at[pl.ds(tcl * q_elems, q_elems)],
                    gsems[tcl],
                )
            )

        out_cps = []
        for tcl in range(TCL):
            gcps[tcl].wait()
            for tr in range(D // 8):
                dst = (tr * OBLK + wid * TCL + tcl) * 8 * 128
                out_cps.append(
                    pltpu.async_copy(
                        gath_v.at[pl.ds((tcl * D + tr * 8) * 128, 8 * 128)],
                        out_hbm.at[pl.ds(dst, 8 * 128)],
                        sem,
                    )
                )
        for cp in out_cps:
            cp.wait()

    return lookup


def kernel(input_ids, table):
    B, NBITS = input_ids.shape
    V, D = table.shape
    bits_t = input_ids.T
    wflat = (
        table.T.reshape(D // 8, 8, V // 128, 128)
        .transpose(0, 2, 1, 3)
        .reshape(V * D)
    )
    out = _build_lookup(B, NBITS, V, D)(bits_t, wflat)
    out = (
        out.reshape(D // 8, B // 128, 8, 128)
        .transpose(0, 2, 1, 3)
        .reshape(D, B)
        .T
    )
    return out

# --- scband reference (transcript-rebuilt; emitter-appended) ---
"""Pipeline reference for scband-id-embedding-32212254720631 (READ-ONLY COPY).

The authoritative reference and input builder live on the scoring server;
editing this copy changes nothing except your own understanding.
"""

import jax, jax.numpy as jnp
import numpy as np

NUM_EMBEDDINGS = 1048576
EMBED_DIM = 32
BATCH = 16384
N_BITS = 20


def setup_inputs(seed: int = 0) -> dict:
    key = jax.random.key(seed)
    k1, k2 = jax.random.split(key)
    # binary input: each row is N_BITS bits (0/1), MSB first
    input_ids = jax.random.randint(k1, (BATCH, N_BITS), 0, 2, dtype=jnp.int32)
    # learned embedding table (nn.Embedding default init ~ N(0,1); scaled for stability)
    table = jax.random.normal(k2, (NUM_EMBEDDINGS, EMBED_DIM), dtype=jnp.float32)
    return {"input_ids": input_ids, "table": table}


def reference(input_ids, table):
    # convert_binary_to_decimal: interpret each row of bits (MSB first) as an integer
    n_bits = input_ids.shape[1]
    powers = (2 ** jnp.arange(n_bits - 1, -1, -1)).astype(jnp.int32)
    decimal_ids = jnp.sum(input_ids * powers[None, :], axis=1)
    # embedding lookup (gather)
    embedded_ids = jnp.take(table, decimal_ids, axis=0)
    return embedded_ids

if __name__ == "__main__":
    import jax
    _d = setup_inputs()
    print(jax.jit(kernel)(*tuple(_d.values())))

</pallas_src>

<mosaic_0001>
#map = affine_map<(d0, d1) -> (0, 0)>
#map1 = affine_map<(d0, d1) -> (0)>
module attributes {stable_mosaic.version = 14 : i64} {
  func.func @lookup(%arg0: i32, %arg1: i32, %arg2: memref<20x16384xi32, #tpu.memory_space<hbm>>, %arg3: memref<33554432xf32, #tpu.memory_space<hbm>>, %arg4: memref<524288xf32, #tpu.memory_space<hbm>>, %arg5: memref<20x512xi32, #tpu.memory_space<vmem>>, %arg6: memref<512xi32, #tpu.memory_space<vmem>>, %arg7: memref<16384xi32, #tpu.memory_space<vmem>>, %arg8: memref<16384xf32, #tpu.memory_space<vmem>>, %arg9: memref<!tpu.dma_semaphore, #tpu.memory_space<semaphore_mem>>, %arg10: memref<!tpu.dma_semaphore, #tpu.memory_space<semaphore_mem>>, %arg11: memref<!tpu.dma_semaphore, #tpu.memory_space<semaphore_mem>>, %arg12: memref<!tpu.dma_semaphore, #tpu.memory_space<semaphore_mem>>, %arg13: memref<!tpu.dma_semaphore, #tpu.memory_space<semaphore_mem>>) attributes {dimension_semantics = [#tpu.dimension_semantics<core_parallel>, #tpu.dimension_semantics<subcore_parallel>], iteration_bounds = array<i64: 2, 16>, scalar_prefetch = 0 : i64, scratch_operands = 9 : i64, tpu.core_type = #tpu.core_type<sc_vector_subcore>, window_params = [{transform_indices = #map}, {transform_indices = #map1}, {transform_indices = #map1}]} {
    %mul3A = arith.constant 2 : i32
    %mul3A_0 = arith.muli %arg1, %mul3A : i32
    %add3A = arith.addi %mul3A_0, %arg0 : i32
    %mul3A_1 = arith.constant 512 : i32
    %mul3A_2 = arith.muli %add3A, %mul3A_1 : i32
    "tpu.region"() ({
      %run_scoped3A = tpu.sem_alloc : memref<!tpu.dma_semaphore, #tpu.memory_space<semaphore_mem>>
      %dma_start3A_503 = arith.constant 0 : i32
      %dma_start3A_504 = tpu.memref_slice %arg2[%dma_start3A_503, %mul3A_2] : memref<20x16384xi32, #tpu.memory_space<hbm>> -> memref<20x512xi32, #tpu.memory_space<hbm>>
      %dma_start3A_505 = arith.constant 0 : i32
      %dma_start3A_506 = tpu.memref_slice %arg2[%dma_start3A_505, %mul3A_2] : memref<20x16384xi32, #tpu.memory_space<hbm>> -> memref<20x512xi32, #tpu.memory_space<hbm>>
      tpu.enqueue_dma source(%dma_start3A_506 : memref<20x512xi32, #tpu.memory_space<hbm>>) target(%arg5 : memref<20x512xi32, #tpu.memory_space<vmem>>) target_semaphore(%run_scoped3A : memref<!tpu.dma_semaphore, #tpu.memory_space<semaphore_mem>>)
      %dma_wait3A_507 = arith.constant 0 : i32
      %dma_wait3A_508 = tpu.memref_slice %arg2[%dma_wait3A_507, %mul3A_2] : memref<20x16384xi32, #tpu.memory_space<hbm>> -> memref<20x512xi32, #tpu.memory_space<hbm>>
      %dma_wait3A_509 = arith.constant 0 : i32
      %dma_wait3A_510 = tpu.memref_slice %arg2[%dma_wait3A_509, %mul3A_2] : memref<20x16384xi32, #tpu.memory_space<hbm>> -> memref<20x512xi32, #tpu.memory_space<hbm>>
      tpu.wait_dma2 semaphore(%run_scoped3A : memref<!tpu.dma_semaphore, #tpu.memory_space<semaphore_mem>>) src(%dma_wait3A_510 : memref<20x512xi32, #tpu.memory_space<hbm>>) dst(%arg5 : memref<20x512xi32, #tpu.memory_space<vmem>>)
      tpu.yield
    }) : () -> ()
    %scan3A = arith.constant 0 : i32
    %scan3A_3 = arith.constant 8 : i32
    %scan3A_4 = arith.addi %scan3A, %scan3A_3 : i32
    %scan3A_5 = arith.constant 1 : i32
    scf.for %scan3A_503 = %scan3A to %scan3A_4 step %scan3A_5  : i32 {
      %mul3A_504 = arith.constant 1 : i32
      %mul3A_505 = arith.muli %scan3A_503, %mul3A_504 : i32
      %add3A_506 = arith.constant 0 : i32
      %add3A_507 = arith.addi %add3A_506, %mul3A_505 : i32
      %mul3A_508 = arith.constant 16 : i32
      %mul3A_509 = arith.muli %add3A_507, %mul3A_508 : i32
      %get3A_510 = arith.constant 0 : i32
      %get3A_511 = arith.index_cast %get3A_510 : i32 to index
      %get3A_512 = arith.index_cast %mul3A_509 : i32 to index
      %get3A_513 = tpu.vector_load %arg5[%get3A_511, %get3A_512] {strides = array<i32>} : memref<20x512xi32, #tpu.memory_space<vmem>>, vector<16xi32>,
      %add3A_514 = arith.addi %get3A_513, %get3A_513 : vector<16xi32>
      %mul3A_515 = arith.constant 16 : i32
      %mul3A_516 = arith.muli %add3A_507, %mul3A_515 : i32
      %get3A_517 = arith.constant 1 : i32
      %get3A_518 = arith.index_cast %get3A_517 : i32 to index
      %get3A_519 = arith.index_cast %mul3A_516 : i32 to index
      %get3A_520 = tpu.vector_load %arg5[%get3A_518, %get3A_519] {strides = array<i32>} : memref<20x512xi32, #tpu.memory_space<vmem>>, vector<16xi32>,
      %add3A_521 = arith.addi %add3A_514, %get3A_520 : vector<16xi32>
      %add3A_522 = arith.addi %add3A_521, %add3A_521 : vector<16xi32>
      %mul3A_523 = arith.constant 16 : i32
      %mul3A_524 = arith.muli %add3A_507, %mul3A_523 : i32
      %get3A_525 = arith.constant 2 : i32
      %get3A_526 = arith.index_cast %get3A_525 : i32 to index
      %get3A_527 = arith.index_cast %mul3A_524 : i32 to index
      %get3A_528 = tpu.vector_load %arg5[%get3A_526, %get3A_527] {strides = array<i32>} : memref<20x512xi32, #tpu.memory_space<vmem>>, vector<16xi32>,
      %add3A_529 = arith.addi %add3A_522, %get3A_528 : vector<16xi32>
      %add3A_530 = arith.addi %add3A_529, %add3A_529 : vector<16xi32>
      %mul3A_531 = arith.constant 16 : i32
      %mul3A_532 = arith.muli %add3A_507, %mul3A_531 : i32
      %get3A_533 = arith.constant 3 : i32
      %get3A_534 = arith.index_cast %get3A_533 : i32 to index
      %get3A_535 = arith.index_cast %mul3A_532 : i32 to index
      %get3A_536 = tpu.vector_load %arg5[%get3A_534, %get3A_535] {strides = array<i32>} : memref<20x512xi32, #tpu.memory_space<vmem>>, vector<16xi32>,
      %add3A_537 = arith.addi %add3A_530, %get3A_536 : vector<16xi32>
      %add3A_538 = arith.addi %add3A_537, %add3A_537 : vector<16xi32>
      %mul3A_539 = arith.constant 16 : i32
      %mul3A_540 = arith.muli %add3A_507, %mul3A_539 : i32
      %get3A_541 = arith.constant 4 : i32
      %get3A_542 = arith.index_cast %get3A_541 : i32 to index
      %get3A_543 = arith.index_cast %mul3A_540 : i32 to index
      %get3A_544 = tpu.vector_load %arg5[%get3A_542, %get3A_543] {strides = array<i32>} : memref<20x512xi32, #tpu.memory_space<vmem>>, vector<16xi32>,
      %add3A_545 = arith.addi %add3A_538, %get3A_544 : vector<16xi32>
      %add3A_546 = arith.addi %add3A_545, %add3A_545 : vector<16xi32>
      %mul3A_547 = arith.constant 16 : i32
      %mul3A_548 = arith.muli %add3A_507, %mul3A_547 : i32
      %get3A_549 = arith.constant 5 : i32
      %get3A_550 = arith.index_cast %get3A_549 : i32 to index
      %get3A_551 = arith.index_cast %mul3A_548 : i32 to index
      %get3A_552 = tpu.vector_load %arg5[%get3A_550, %get3A_551] {strides = array<i32>} : memref<20x512xi32, #tpu.memory_space<vmem>>, vector<16xi32>,
      %add3A_553 = arith.addi %add3A_546, %get3A_552 : vector<16xi32>
      %add3A_554 = arith.addi %add3A_553, %add3A_553 : vector<16xi32>
      %mul3A_555 = arith.constant 16 : i32
      %mul3A_556 = arith.muli %add3A_507, %mul3A_555 : i32
      %get3A_557 = arith.constant 6 : i32
      %get3A_558 = arith.index_cast %get3A_557 : i32 to index
      %get3A_559 = arith.index_cast %mul3A_556 : i32 to index
      %get3A_560 = tpu.vector_load %arg5[%get3A_558, %get3A_559] {strides = array<i32>} : memref<20x512xi32, #tpu.memory_space<vmem>>, vector<16xi32>,
      %add3A_561 = arith.addi %add3A_554, %get3A_560 : vector<16xi32>
      %add3A_562 = arith.addi %add3A_561, %add3A_561 : vector<16xi32>
      %mul3A_563 = arith.constant 16 : i32
      %mul3A_564 = arith.muli %add3A_507, %mul3A_563 : i32
      %get3A_565 = arith.constant 7 : i32
      %get3A_566 = arith.index_cast %get3A_565 : i32 to index
      %get3A_567 = arith.index_cast %mul3A_564 : i32 to index
      %get3A_568 = tpu.vector_load %arg5[%get3A_566, %get3A_567] {strides = array<i32>} : memref<20x512xi32, #tpu.memory_space<vmem>>, vector<16xi32>,
      %add3A_569 = arith.addi %add3A_562, %get3A_568 : vector<16xi32>
      %add3A_570 = arith.addi %add3A_569, %add3A_569 : vector<16xi32>
      %mul3A_571 = arith.constant 16 : i32
      %mul3A_572 = arith.muli %add3A_507, %mul3A_571 : i32
      %get3A_573 = arith.constant 8 : i32
      %get3A_574 = arith.index_cast %get3A_573 : i32 to index
      %get3A_575 = arith.index_cast %mul3A_572 : i32 to index
      %get3A_576 = tpu.vector_load %arg5[%get3A_574, %get3A_575] {strides = array<i32>} : memref<20x512xi32, #tpu.memory_space<vmem>>, vector<16xi32>,
      %add3A_577 = arith.addi %add3A_570, %get3A_576 : vector<16xi32>
      %add3A_578 = arith.addi %add3A_577, %add3A_577 : vector<16xi32>
      %mul3A_579 = arith.constant 16 : i32
      %mul3A_580 = arith.muli %add3A_507, %mul3A_579 : i32
      %get3A_581 = arith.constant 9 : i32
      %get3A_582 = arith.index_cast %get3A_581 : i32 to index
      %get3A_583 = arith.index_cast %mul3A_580 : i32 to index
      %get3A_584 = tpu.vector_load %arg5[%get3A_582, %get3A_583] {strides = array<i32>} : memref<20x512xi32, #tpu.memory_space<vmem>>, vector<16xi32>,
      %add3A_585 = arith.addi %add3A_578, %get3A_584 : vector<16xi32>
      %add3A_586 = arith.addi %add3A_585, %add3A_585 : vector<16xi32>
      %mul3A_587 = arith.constant 16 : i32
      %mul3A_588 = arith.muli %add3A_507, %mul3A_587 : i32
      %get3A_589 = arith.constant 10 : i32
      %get3A_590 = arith.index_cast %get3A_589 : i32 to index
      %get3A_591 = arith.index_cast %mul3A_588 : i32 to index
      %get3A_592 = tpu.vector_load %arg5[%get3A_590, %get3A_591] {strides = array<i32>} : memref<20x512xi32, #tpu.memory_space<vmem>>, vector<16xi32>,
      %add3A_593 = arith.addi %add3A_586, %get3A_592 : vector<16xi32>
      %add3A_594 = arith.addi %add3A_593, %add3A_593 : vector<16xi32>
      %mul3A_595 = arith.constant 16 : i32
      %mul3A_596 = arith.muli %add3A_507, %mul3A_595 : i32
      %get3A_597 = arith.constant 11 : i32
      %get3A_598 = arith.index_cast %get3A_597 : i32 to index
      %get3A_599 = arith.index_cast %mul3A_596 : i32 to index
      %get3A_600 = tpu.vector_load %arg5[%get3A_598, %get3A_599] {strides = array<i32>} : memref<20x512xi32, #tpu.memory_space<vmem>>, vector<16xi32>,
      %add3A_601 = arith.addi %add3A_594, %get3A_600 : vector<16xi32>
      %add3A_602 = arith.addi %add3A_601, %add3A_601 : vector<16xi32>
      %mul3A_603 = arith.constant 16 : i32
      %mul3A_604 = arith.muli %add3A_507, %mul3A_603 : i32
      %get3A_605 = arith.constant 12 : i32
      %get3A_606 = arith.index_cast %get3A_605 : i32 to index
      %get3A_607 = arith.index_cast %mul3A_604 : i32 to index
      %get3A_608 = tpu.vector_load %arg5[%get3A_606, %get3A_607] {strides = array<i32>} : memref<20x512xi32, #tpu.memory_space<vmem>>, vector<16xi32>,
      %add3A_609 = arith.addi %add3A_602, %get3A_608 : vector<16xi32>
      %add3A_610 = arith.addi %add3A_609, %add3A_609 : vector<16xi32>
      %mul3A_611 = arith.constant 16 : i32
      %mul3A_612 = arith.muli %add3A_507, %mul3A_611 : i32
      %get3A_613 = arith.constant 13 : i32
      %get3A_614 = arith.index_cast %get3A_613 : i32 to index
      %get3A_615 = arith.index_cast %mul3A_612 : i32 to index
      %get3A_616 = tpu.vector_load %arg5[%get3A_614, %get3A_615] {strides = array<i32>} : memref<20x512xi32, #tpu.memory_space<vmem>>, vector<16xi32>,
      %add3A_617 = arith.addi %add3A_610, %get3A_616 : vector<16xi32>
      %add3A_618 = arith.addi %add3A_617, %add3A_617 : vector<16xi32>
      %mul3A_619 = arith.constant 16 : i32
      %mul3A_620 = arith.muli %add3A_507, %mul3A_619 : i32
      %get3A_621 = arith.constant 14 : i32
      %get3A_622 = arith.index_cast %get3A_621 : i32 to index
      %get3A_623 = arith.index_cast %mul3A_620 : i32 to index
      %get3A_624 = tpu.vector_load %arg5[%get3A_622, %get3A_623] {strides = array<i32>} : memref<20x512xi32, #tpu.memory_space<vmem>>, vector<16xi32>,
      %add3A_625 = arith.addi %add3A_618, %get3A_624 : vector<16xi32>
      %add3A_626 = arith.addi %add3A_625, %add3A_625 : vector<16xi32>
      %mul3A_627 = arith.constant 16 : i32
      %mul3A_628 = arith.muli %add3A_507, %mul3A_627 : i32
      %get3A_629 = arith.constant 15 : i32
      %get3A_630 = arith.index_cast %get3A_629 : i32 to index
      %get3A_631 = arith.index_cast %mul3A_628 : i32 to index
      %get3A_632 = tpu.vector_load %arg5[%get3A_630, %get3A_631] {strides = array<i32>} : memref<20x512xi32, #tpu.memory_space<vmem>>, vector<16xi32>,
      %add3A_633 = arith.addi %add3A_626, %get3A_632 : vector<16xi32>
      %add3A_634 = arith.addi %add3A_633, %add3A_633 : vector<16xi32>
      %mul3A_635 = arith.constant 16 : i32
      %mul3A_636 = arith.muli %add3A_507, %mul3A_635 : i32
      %get3A_637 = arith.constant 16 : i32
      %get3A_638 = arith.index_cast %get3A_637 : i32 to index
      %get3A_639 = arith.index_cast %mul3A_636 : i32 to index
      %get3A_640 = tpu.vector_load %arg5[%get3A_638, %get3A_639] {strides = array<i32>} : memref<20x512xi32, #tpu.memory_space<vmem>>, vector<16xi32>,
      %add3A_641 = arith.addi %add3A_634, %get3A_640 : vector<16xi32>
      %add3A_642 = arith.addi %add3A_641, %add3A_641 : vector<16xi32>
      %mul3A_643 = arith.constant 16 : i32
      %mul3A_644 = arith.muli %add3A_507, %mul3A_643 : i32
      %get3A_645 = arith.constant 17 : i32
      %get3A_646 = arith.index_cast %get3A_645 : i32 to index
      %get3A_647 = arith.index_cast %mul3A_644 : i32 to index
      %get3A_648 = tpu.vector_load %arg5[%get3A_646, %get3A_647] {strides = array<i32>} : memref<20x512xi32, #tpu.memory_space<vmem>>, vector<16xi32>,
      %add3A_649 = arith.addi %add3A_642, %get3A_648 : vector<16xi32>
      %add3A_650 = arith.addi %add3A_649, %add3A_649 : vector<16xi32>
      %mul3A_651 = arith.constant 16 : i32
      %mul3A_652 = arith.muli %add3A_507, %mul3A_651 : i32
      %get3A_653 = arith.constant 18 : i32
      %get3A_654 = arith.index_cast %get3A_653 : i32 to index
      %get3A_655 = arith.index_cast %mul3A_652 : i32 to index
      %get3A_656 = tpu.vector_load %arg5[%get3A_654, %get3A_655] {strides = array<i32>} : memref<20x512xi32, #tpu.memory_space<vmem>>, vector<16xi32>,
      %add3A_657 = arith.addi %add3A_650, %get3A_656 : vector<16xi32>
      %add3A_658 = arith.addi %add3A_657, %add3A_657 : vector<16xi32>
      %mul3A_659 = arith.constant 16 : i32
      %mul3A_660 = arith.muli %add3A_507, %mul3A_659 : i32
      %get3A_661 = arith.constant 19 : i32
      %get3A_662 = arith.index_cast %get3A_661 : i32 to index
      %get3A_663 = arith.index_cast %mul3A_660 : i32 to index
      %get3A_664 = tpu.vector_load %arg5[%get3A_662, %get3A_663] {strides = array<i32>} : memref<20x512xi32, #tpu.memory_space<vmem>>, vector<16xi32>,
      %add3A_665 = arith.addi %add3A_658, %get3A_664 : vector<16xi32>
      %shift_right_arithmetic3A = arith.constant 7 : i32
      %shift_right_arithmetic3A_666 = vector.broadcast %shift_right_arithmetic3A : i32 to vector<16xi32>
      %shift_right_arithmetic3A_667 = arith.shrsi %add3A_665, %shift_right_arithmetic3A_666 : vector<16xi32>
      %mul3A_668 = arith.constant 1024 : i32
      %mul3A_669 = vector.broadcast %mul3A_668 : i32 to vector<16xi32>
      %mul3A_670 = arith.muli %shift_right_arithmetic3A_667, %mul3A_669 : vector<16xi32>
      %and3A = arith.constant 127 : i32
      %and3A_671 = vector.broadcast %and3A : i32 to vector<16xi32>
      %and3A_672 = arith.andi %add3A_665, %and3A_671 : vector<16xi32>
      %add3A_673 = arith.addi %mul3A_670, %and3A_672 : vector<16xi32>
      %mul3A_674 = arith.constant 16 : i32
      %mul3A_675 = arith.muli %add3A_507, %mul3A_674 : i32
      %swap3A = arith.index_cast %mul3A_675 : i32 to index
      %swap3A_676 = tpu.vector_load %arg6[%swap3A] {strides = array<i32>} : memref<512xi32, #tpu.memory_space<vmem>>, vector<16xi32>,
      tpu.vector_store %arg6[%swap3A], %add3A_673 {strides = array<i32>} : memref<512xi32, #tpu.memory_space<vmem>>, vector<16xi32>,
    }
    %scan3A_6 = arith.constant 8 : i32
    %get3A = arith.constant 0 : index
    %get3A_7 = tpu.vector_load %arg6[%get3A] {strides = array<i32>} : memref<512xi32, #tpu.memory_space<vmem>>, vector<16xi32>,
    %get3A_8 = arith.constant 16 : index
    %get3A_9 = tpu.vector_load %arg6[%get3A_8] {strides = array<i32>} : memref<512xi32, #tpu.memory_space<vmem>>, vector<16xi32>,
    %get3A_10 = arith.constant 32 : index
    %get3A_11 = tpu.vector_load %arg6[%get3A_10] {strides = array<i32>} : memref<512xi32, #tpu.memory_space<vmem>>, vector<16xi32>,
    %get3A_12 = arith.constant 48 : index
    %get3A_13 = tpu.vector_load %arg6[%get3A_12] {strides = array<i32>} : memref<512xi32, #tpu.memory_space<vmem>>, vector<16xi32>,
    %get3A_14 = arith.constant 64 : index
    %get3A_15 = tpu.vector_load %arg6[%get3A_14] {strides = array<i32>} : memref<512xi32, #tpu.memory_space<vmem>>, vector<16xi32>,
    %get3A_16 = arith.constant 80 : index
    %get3A_17 = tpu.vector_load %arg6[%get3A_16] {strides = array<i32>} : memref<512xi32, #tpu.memory_space<vmem>>, vector<16xi32>,
    %get3A_18 = arith.constant 96 : index
    %get3A_19 = tpu.vector_load %arg6[%get3A_18] {strides = array<i32>} : memref<512xi32, #tpu.memory_space<vmem>>, vector<16xi32>,
    %get3A_20 = arith.constant 112 : index
    %get3A_21 = tpu.vector_load %arg6[%get3A_20] {strides = array<i32>} : memref<512xi32, #tpu.memory_space<vmem>>, vector<16xi32>,
    %scan3A_22 = arith.constant 0 : i32
    %scan3A_23 = arith.constant 32 : i32
    %scan3A_24 = arith.addi %scan3A_22, %scan3A_23 : i32
    %scan3A_25 = arith.constant 1 : i32
    scf.for %scan3A_503 = %scan3A_22 to %scan3A_24 step %scan3A_25  : i32 {
      %mul3A_504 = arith.constant 1 : i32
      %mul3A_505 = arith.muli %scan3A_503, %mul3A_504 : i32
      %add3A_506 = arith.constant 0 : i32
      %add3A_507 = arith.addi %add3A_506, %mul3A_505 : i32
      %shift_right_arithmetic3A = arith.constant 3 : i32
      %shift_right_arithmetic3A_508 = arith.shrsi %add3A_507, %shift_right_arithmetic3A : i32
      %mul3A_509 = arith.constant 8388608 : i32
      %mul3A_510 = arith.muli %shift_right_arithmetic3A_508, %mul3A_509 : i32
      %and3A = arith.constant 7 : i32
      %and3A_511 = arith.andi %add3A_507, %and3A : i32
      %mul3A_512 = arith.constant 128 : i32
      %mul3A_513 = arith.muli %and3A_511, %mul3A_512 : i32
      %add3A_514 = arith.addi %mul3A_510, %mul3A_513 : i32
      %broadcast_in_dim3A = vector.broadcast %add3A_514 : i32 to vector<16xi32>
      %add3A_515 = arith.constant 0 : i32
      %add3A_516 = arith.addi %add3A_515, %add3A_507 : i32
      %mul3A_517 = arith.constant 128 : i32
      %mul3A_518 = arith.muli %add3A_516, %mul3A_517 : i32
      %add3A_519 = arith.addi %broadcast_in_dim3A, %get3A_7 : vector<16xi32>
      %add3A_520 = arith.constant 0 : i32
      %add3A_521 = arith.addi %mul3A_518, %add3A_520 : i32
      %swap3A = arith.index_cast %add3A_521 : i32 to index
      %swap3A_522 = tpu.vector_load %arg7[%swap3A] {strides = array<i32>} : memref<16384xi32, #tpu.memory_space<vmem>>, vector<16xi32>,
      tpu.vector_store %arg7[%swap3A], %add3A_519 {strides = array<i32>} : memref<16384xi32, #tpu.memory_space<vmem>>, vector<16xi32>,
      %add3A_523 = arith.addi %broadcast_in_dim3A, %get3A_9 : vector<16xi32>
      %add3A_524 = arith.constant 16 : i32
      %add3A_525 = arith.addi %mul3A_518, %add3A_524 : i32
      %swap3A_526 = arith.index_cast %add3A_525 : i32 to index
      %swap3A_527 = tpu.vector_load %arg7[%swap3A_526] {strides = array<i32>} : memref<16384xi32, #tpu.memory_space<vmem>>, vector<16xi32>,
      tpu.vector_store %arg7[%swap3A_526], %add3A_523 {strides = array<i32>} : memref<16384xi32, #tpu.memory_space<vmem>>, vector<16xi32>,
      %add3A_528 = arith.addi %broadcast_in_dim3A, %get3A_11 : vector<16xi32>
      %add3A_529 = arith.constant 32 : i32
      %add3A_530 = arith.addi %mul3A_518, %add3A_529 : i32
      %swap3A_531 = arith.index_cast %add3A_530 : i32 to index
      %swap3A_532 = tpu.vector_load %arg7[%swap3A_531] {strides = array<i32>} : memref<16384xi32, #tpu.memory_space<vmem>>, vector<16xi32>,
      tpu.vector_store %arg7[%swap3A_531], %add3A_528 {strides = array<i32>} : memref<16384xi32, #tpu.memory_space<vmem>>, vector<16xi32>,
      %add3A_533 = arith.addi %broadcast_in_dim3A, %get3A_13 : vector<16xi32>
      %add3A_534 = arith.constant 48 : i32
      %add3A_535 = arith.addi %mul3A_518, %add3A_534 : i32
      %swap3A_536 = arith.index_cast %add3A_535 : i32 to index
      %swap3A_537 = tpu.vector_load %arg7[%swap3A_536] {strides = array<i32>} : memref<16384xi32, #tpu.memory_space<vmem>>, vector<16xi32>,
      tpu.vector_store %arg7[%swap3A_536], %add3A_533 {strides = array<i32>} : memref<16384xi32, #tpu.memory_space<vmem>>, vector<16xi32>,
      %add3A_538 = arith.addi %broadcast_in_dim3A, %get3A_15 : vector<16xi32>
      %add3A_539 = arith.constant 64 : i32
      %add3A_540 = arith.addi %mul3A_518, %add3A_539 : i32
      %swap3A_541 = arith.index_cast %add3A_540 : i32 to index
      %swap3A_542 = tpu.vector_load %arg7[%swap3A_541] {strides = array<i32>} : memref<16384xi32, #tpu.memory_space<vmem>>, vector<16xi32>,
      tpu.vector_store %arg7[%swap3A_541], %add3A_538 {strides = array<i32>} : memref<16384xi32, #tpu.memory_space<vmem>>, vector<16xi32>,
      %add3A_543 = arith.addi %broadcast_in_dim3A, %get3A_17 : vector<16xi32>
      %add3A_544 = arith.constant 80 : i32
      %add3A_545 = arith.addi %mul3A_518, %add3A_544 : i32
      %swap3A_546 = arith.index_cast %add3A_545 : i32 to index
      %swap3A_547 = tpu.vector_load %arg7[%swap3A_546] {strides = array<i32>} : memref<16384xi32, #tpu.memory_space<vmem>>, vector<16xi32>,
      tpu.vector_store %arg7[%swap3A_546], %add3A_543 {strides = array<i32>} : memref<16384xi32, #tpu.memory_space<vmem>>, vector<16xi32>,
      %add3A_548 = arith.addi %broadcast_in_dim3A, %get3A_19 : vector<16xi32>
      %add3A_549 = arith.constant 96 : i32
      %add3A_550 = arith.addi %mul3A_518, %add3A_549 : i32
      %swap3A_551 = arith.index_cast %add3A_550 : i32 to index
      %swap3A_552 = tpu.vector_load %arg7[%swap3A_551] {strides = array<i32>} : memref<16384xi32, #tpu.memory_space<vmem>>, vector<16xi32>,
      tpu.vector_store %arg7[%swap3A_551], %add3A_548 {strides = array<i32>} : memref<16384xi32, #tpu.memory_space<vmem>>, vector<16xi32>,
      %add3A_553 = arith.addi %broadcast_in_dim3A, %get3A_21 : vector<16xi32>
      %add3A_554 = arith.constant 112 : i32
      %add3A_555 = arith.addi %mul3A_518, %add3A_554 : i32
      %swap3A_556 = arith.index_cast %add3A_555 : i32 to index
      %swap3A_557 = tpu.vector_load %arg7[%swap3A_556] {strides = array<i32>} : memref<16384xi32, #tpu.memory_space<vmem>>, vector<16xi32>,
      tpu.vector_store %arg7[%swap3A_556], %add3A_553 {strides = array<i32>} : memref<16384xi32, #tpu.memory_space<vmem>>, vector<16xi32>,
    }
    %scan3A_26 = arith.constant 32 : i32
    %dma_start3A = arith.constant 0 : i32
    %dma_start3A_27 = tpu.memref_slice %arg8[%dma_start3A] : memref<16384xf32, #tpu.memory_space<vmem>> -> memref<4096xf32, #tpu.memory_space<vmem>>
    %dma_start3A_28 = arith.constant 0 : i32
    %dma_start3A_29 = tpu.memref_slice %arg7[%dma_start3A_28] : memref<16384xi32, #tpu.memory_space<vmem>> -> memref<4096xi32, #tpu.memory_space<vmem>>
    %dma_start3A_30 = arith.constant 0 : i32
    %dma_start3A_31 = tpu.memref_slice %arg3[%dma_start3A_30] : memref<33554432xf32, #tpu.memory_space<hbm>> -> memref<33554432xf32, #tpu.memory_space<hbm>>
    tpu.enqueue_indirect_dma source(%dma_start3A_31 : memref<33554432xf32, #tpu.memory_space<hbm>>) target(%dma_start3A_27 : memref<4096xf32, #tpu.memory_space<vmem>>) offsets(%dma_start3A_29 : memref<4096xi32, #tpu.memory_space<vmem>>) semaphore(%arg10 : memref<!tpu.dma_semaphore, #tpu.memory_space<semaphore_mem>>)
    %scan3A_32 = arith.constant 0 : i32
    %scan3A_33 = arith.constant 8 : i32
    %scan3A_34 = arith.addi %scan3A_32, %scan3A_33 : i32
    %scan3A_35 = arith.constant 1 : i32
    scf.for %scan3A_503 = %scan3A_32 to %scan3A_34 step %scan3A_35  : i32 {
      %mul3A_504 = arith.constant 1 : i32
      %mul3A_505 = arith.muli %scan3A_503, %mul3A_504 : i32
      %add3A_506 = arith.constant 8 : i32
      %add3A_507 = arith.addi %add3A_506, %mul3A_505 : i32
      %mul3A_508 = arith.constant 16 : i32
      %mul3A_509 = arith.muli %add3A_507, %mul3A_508 : i32
      %get3A_510 = arith.constant 0 : i32
      %get3A_511 = arith.index_cast %get3A_510 : i32 to index
      %get3A_512 = arith.index_cast %mul3A_509 : i32 to index
      %get3A_513 = tpu.vector_load %arg5[%get3A_511, %get3A_512] {strides = array<i32>} : memref<20x512xi32, #tpu.memory_space<vmem>>, vector<16xi32>,
      %add3A_514 = arith.addi %get3A_513, %get3A_513 : vector<16xi32>
      %mul3A_515 = arith.constant 16 : i32
      %mul3A_516 = arith.muli %add3A_507, %mul3A_515 : i32
      %get3A_517 = arith.constant 1 : i32
      %get3A_518 = arith.index_cast %get3A_517 : i32 to index
      %get3A_519 = arith.index_cast %mul3A_516 : i32 to index
      %get3A_520 = tpu.vector_load %arg5[%get3A_518, %get3A_519] {strides = array<i32>} : memref<20x512xi32, #tpu.memory_space<vmem>>, vector<16xi32>,
      %add3A_521 = arith.addi %add3A_514, %get3A_520 : vector<16xi32>
      %add3A_522 = arith.addi %add3A_521, %add3A_521 : vector<16xi32>
      %mul3A_523 = arith.constant 16 : i32
      %mul3A_524 = arith.muli %add3A_507, %mul3A_523 : i32
      %get3A_525 = arith.constant 2 : i32
      %get3A_526 = arith.index_cast %get3A_525 : i32 to index
      %get3A_527 = arith.index_cast %mul3A_524 : i32 to index
      %get3A_528 = tpu.vector_load %arg5[%get3A_526, %get3A_527] {strides = array<i32>} : memref<20x512xi32, #tpu.memory_space<vmem>>, vector<16xi32>,
      %add3A_529 = arith.addi %add3A_522, %get3A_528 : vector<16xi32>
      %add3A_530 = arith.addi %add3A_529, %add3A_529 : vector<16xi32>
      %mul3A_531 = arith.constant 16 : i32
      %mul3A_532 = arith.muli %add3A_507, %mul3A_531 : i32
      %get3A_533 = arith.constant 3 : i32
      %get3A_534 = arith.index_cast %get3A_533 : i32 to index
      %get3A_535 = arith.index_cast %mul3A_532 : i32 to index
      %get3A_536 = tpu.vector_load %arg5[%get3A_534, %get3A_535] {strides = array<i32>} : memref<20x512xi32, #tpu.memory_space<vmem>>, vector<16xi32>,
      %add3A_537 = arith.addi %add3A_530, %get3A_536 : vector<16xi32>
      %add3A_538 = arith.addi %add3A_537, %add3A_537 : vector<16xi32>
      %mul3A_539 = arith.constant 16 : i32
      %mul3A_540 = arith.muli %add3A_507, %mul3A_539 : i32
      %get3A_541 = arith.constant 4 : i32
      %get3A_542 = arith.index_cast %get3A_541 : i32 to index
      %get3A_543 = arith.index_cast %mul3A_540 : i32 to index
      %get3A_544 = tpu.vector_load %arg5[%get3A_542, %get3A_543] {strides = array<i32>} : memref<20x512xi32, #tpu.memory_space<vmem>>, vector<16xi32>,
      %add3A_545 = arith.addi %add3A_538, %get3A_544 : vector<16xi32>
      %add3A_546 = arith.addi %add3A_545, %add3A_545 : vector<16xi32>
      %mul3A_547 = arith.constant 16 : i32
      %mul3A_548 = arith.muli %add3A_507, %mul3A_547 : i32
      %get3A_549 = arith.constant 5 : i32
      %get3A_550 = arith.index_cast %get3A_549 : i32 to index
      %get3A_551 = arith.index_cast %mul3A_548 : i32 to index
      %get3A_552 = tpu.vector_load %arg5[%get3A_550, %get3A_551] {strides = array<i32>} : memref<20x512xi32, #tpu.memory_space<vmem>>, vector<16xi32>,
      %add3A_553 = arith.addi %add3A_546, %get3A_552 : vector<16xi32>
      %add3A_554 = arith.addi %add3A_553, %add3A_553 : vector<16xi32>
      %mul3A_555 = arith.constant 16 : i32
      %mul3A_556 = arith.muli %add3A_507, %mul3A_555 : i32
      %get3A_557 = arith.constant 6 : i32
      %get3A_558 = arith.index_cast %get3A_557 : i32 to index
      %get3A_559 = arith.index_cast %mul3A_556 : i32 to index
      %get3A_560 = tpu.vector_load %arg5[%get3A_558, %get3A_559] {strides = array<i32>} : memref<20x512xi32, #tpu.memory_space<vmem>>, vector<16xi32>,
      %add3A_561 = arith.addi %add3A_554, %get3A_560 : vector<16xi32>
      %add3A_562 = arith.addi %add3A_561, %add3A_561 : vector<16xi32>
      %mul3A_563 = arith.constant 16 : i32
      %mul3A_564 = arith.muli %add3A_507, %mul3A_563 : i32
      %get3A_565 = arith.constant 7 : i32
      %get3A_566 = arith.index_cast %get3A_565 : i32 to index
      %get3A_567 = arith.index_cast %mul3A_564 : i32 to index
      %get3A_568 = tpu.vector_load %arg5[%get3A_566, %get3A_567] {strides = array<i32>} : memref<20x512xi32, #tpu.memory_space<vmem>>, vector<16xi32>,
      %add3A_569 = arith.addi %add3A_562, %get3A_568 : vector<16xi32>
      %add3A_570 = arith.addi %add3A_569, %add3A_569 : vector<16xi32>
      %mul3A_571 = arith.constant 16 : i32
      %mul3A_572 = arith.muli %add3A_507, %mul3A_571 : i32
      %get3A_573 = arith.constant 8 : i32
      %get3A_574 = arith.index_cast %get3A_573 : i32 to index
      %get3A_575 = arith.index_cast %mul3A_572 : i32 to index
      %get3A_576 = tpu.vector_load %arg5[%get3A_574, %get3A_575] {strides = array<i32>} : memref<20x512xi32, #tpu.memory_space<vmem>>, vector<16xi32>,
      %add3A_577 = arith.addi %add3A_570, %get3A_576 : vector<16xi32>
      %add3A_578 = arith.addi %add3A_577, %add3A_577 : vector<16xi32>
      %mul3A_579 = arith.constant 16 : i32
      %mul3A_580 = arith.muli %add3A_507, %mul3A_579 : i32
      %get3A_581 = arith.constant 9 : i32
      %get3A_582 = arith.index_cast %get3A_581 : i32 to index
      %get3A_583 = arith.index_cast %mul3A_580 : i32 to index
      %get3A_584 = tpu.vector_load %arg5[%get3A_582, %get3A_583] {strides = array<i32>} : memref<20x512xi32, #tpu.memory_space<vmem>>, vector<16xi32>,
      %add3A_585 = arith.addi %add3A_578, %get3A_584 : vector<16xi32>
      %add3A_586 = arith.addi %add3A_585, %add3A_585 : vector<16xi32>
      %mul3A_587 = arith.constant 16 : i32
      %mul3A_588 = arith.muli %add3A_507, %mul3A_587 : i32
      %get3A_589 = arith.constant 10 : i32
      %get3A_590 = arith.index_cast %get3A_589 : i32 to index
      %get3A_591 = arith.index_cast %mul3A_588 : i32 to index
      %get3A_592 = tpu.vector_load %arg5[%get3A_590, %get3A_591] {strides = array<i32>} : memref<20x512xi32, #tpu.memory_space<vmem>>, vector<16xi32>,
      %add3A_593 = arith.addi %add3A_586, %get3A_592 : vector<16xi32>
      %add3A_594 = arith.addi %add3A_593, %add3A_593 : vector<16xi32>
      %mul3A_595 = arith.constant 16 : i32
      %mul3A_596 = arith.muli %add3A_507, %mul3A_595 : i32
      %get3A_597 = arith.constant 11 : i32
      %get3A_598 = arith.index_cast %get3A_597 : i32 to index
      %get3A_599 = arith.index_cast %mul3A_596 : i32 to index
      %get3A_600 = tpu.vector_load %arg5[%get3A_598, %get3A_599] {strides = array<i32>} : memref<20x512xi32, #tpu.memory_space<vmem>>, vector<16xi32>,
      %add3A_601 = arith.addi %add3A_594, %get3A_600 : vector<16xi32>
      %add3A_602 = arith.addi %add3A_601, %add3A_601 : vector<16xi32>
      %mul3A_603 = arith.constant 16 : i32
      %mul3A_604 = arith.muli %add3A_507, %mul3A_603 : i32
      %get3A_605 = arith.constant 12 : i32
      %get3A_606 = arith.index_cast %get3A_605 : i32 to index
      %get3A_607 = arith.index_cast %mul3A_604 : i32 to index
      %get3A_608 = tpu.vector_load %arg5[%get3A_606, %get3A_607] {strides = array<i32>} : memref<20x512xi32, #tpu.memory_space<vmem>>, vector<16xi32>,
      %add3A_609 = arith.addi %add3A_602, %get3A_608 : vector<16xi32>
      %add3A_610 = arith.addi %add3A_609, %add3A_609 : vector<16xi32>
      %mul3A_611 = arith.constant 16 : i32
      %mul3A_612 = arith.muli %add3A_507, %mul3A_611 : i32
      %get3A_613 = arith.constant 13 : i32
      %get3A_614 = arith.index_cast %get3A_613 : i32 to index
      %get3A_615 = arith.index_cast %mul3A_612 : i32 to index
      %get3A_616 = tpu.vector_load %arg5[%get3A_614, %get3A_615] {strides = array<i32>} : memref<20x512xi32, #tpu.memory_space<vmem>>, vector<16xi32>,
      %add3A_617 = arith.addi %add3A_610, %get3A_616 : vector<16xi32>
      %add3A_618 = arith.addi %add3A_617, %add3A_617 : vector<16xi32>
      %mul3A_619 = arith.constant 16 : i32
      %mul3A_620 = arith.muli %add3A_507, %mul3A_619 : i32
      %get3A_621 = arith.constant 14 : i32
      %get3A_622 = arith.index_cast %get3A_621 : i32 to index
      %get3A_623 = arith.index_cast %mul3A_620 : i32 to index
      %get3A_624 = tpu.vector_load %arg5[%get3A_622, %get3A_623] {strides = array<i32>} : memref<20x512xi32, #tpu.memory_space<vmem>>, vector<16xi32>,
      %add3A_625 = arith.addi %add3A_618, %get3A_624 : vector<16xi32>
      %add3A_626 = arith.addi %add3A_625, %add3A_625 : vector<16xi32>
      %mul3A_627 = arith.constant 16 : i32
      %mul3A_628 = arith.muli %add3A_507, %mul3A_627 : i32
      %get3A_629 = arith.constant 15 : i32
      %get3A_630 = arith.index_cast %get3A_629 : i32 to index
      %get3A_631 = arith.index_cast %mul3A_628 : i32 to index
      %get3A_632 = tpu.vector_load %arg5[%get3A_630, %get3A_631] {strides = array<i32>} : memref<20x512xi32, #tpu.memory_space<vmem>>, vector<16xi32>,
      %add3A_633 = arith.addi %add3A_626, %get3A_632 : vector<16xi32>
      %add3A_634 = arith.addi %add3A_633, %add3A_633 : vector<16xi32>
      %mul3A_635 = arith.constant 16 : i32
      %mul3A_636 = arith.muli %add3A_507, %mul3A_635 : i32
      %get3A_637 = arith.constant 16 : i32
      %get3A_638 = arith.index_cast %get3A_637 : i32 to index
      %get3A_639 = arith.index_cast %mul3A_636 : i32 to index
      %get3A_640 = tpu.vector_load %arg5[%get3A_638, %get3A_639] {strides = array<i32>} : memref<20x512xi32, #tpu.memory_space<vmem>>, vector<16xi32>,
      %add3A_641 = arith.addi %add3A_634, %get3A_640 : vector<16xi32>
      %add3A_642 = arith.addi %add3A_641, %add3A_641 : vector<16xi32>
      %mul3A_643 = arith.constant 16 : i32
      %mul3A_644 = arith.muli %add3A_507, %mul3A_643 : i32
      %get3A_645 = arith.constant 17 : i32
      %get3A_646 = arith.index_cast %get3A_645 : i32 to index
      %get3A_647 = arith.index_cast %mul3A_644 : i32 to index
      %get3A_648 = tpu.vector_load %arg5[%get3A_646, %get3A_647] {strides = array<i32>} : memref<20x512xi32, #tpu.memory_space<vmem>>, vector<16xi32>,
      %add3A_649 = arith.addi %add3A_642, %get3A_648 : vector<16xi32>
      %add3A_650 = arith.addi %add3A_649, %add3A_649 : vector<16xi32>
      %mul3A_651 = arith.constant 16 : i32
      %mul3A_652 = arith.muli %add3A_507, %mul3A_651 : i32
      %get3A_653 = arith.constant 18 : i32
      %get3A_654 = arith.index_cast %get3A_653 : i32 to index
      %get3A_655 = arith.index_cast %mul3A_652 : i32 to index
      %get3A_656 = tpu.vector_load %arg5[%get3A_654, %get3A_655] {strides = array<i32>} : memref<20x512xi32, #tpu.memory_space<vmem>>, vector<16xi32>,
      %add3A_657 = arith.addi %add3A_650, %get3A_656 : vector<16xi32>
      %add3A_658 = arith.addi %add3A_657, %add3A_657 : vector<16xi32>
      %mul3A_659 = arith.constant 16 : i32
      %mul3A_660 = arith.muli %add3A_507, %mul3A_659 : i32
      %get3A_661 = arith.constant 19 : i32
      %get3A_662 = arith.index_cast %get3A_661 : i32 to index
      %get3A_663 = arith.index_cast %mul3A_660 : i32 to index
      %get3A_664 = tpu.vector_load %arg5[%get3A_662, %get3A_663] {strides = array<i32>} : memref<20x512xi32, #tpu.memory_space<vmem>>, vector<16xi32>,
      %add3A_665 = arith.addi %add3A_658, %get3A_664 : vector<16xi32>
      %shift_right_arithmetic3A = arith.constant 7 : i32
      %shift_right_arithmetic3A_666 = vector.broadcast %shift_right_arithmetic3A : i32 to vector<16xi32>
      %shift_right_arithmetic3A_667 = arith.shrsi %add3A_665, %shift_right_arithmetic3A_666 : vector<16xi32>
      %mul3A_668 = arith.constant 1024 : i32
      %mul3A_669 = vector.broadcast %mul3A_668 : i32 to vector<16xi32>
      %mul3A_670 = arith.muli %shift_right_arithmetic3A_667, %mul3A_669 : vector<16xi32>
      %and3A = arith.constant 127 : i32
      %and3A_671 = vector.broadcast %and3A : i32 to vector<16xi32>
      %and3A_672 = arith.andi %add3A_665, %and3A_671 : vector<16xi32>
      %add3A_673 = arith.addi %mul3A_670, %and3A_672 : vector<16xi32>
      %mul3A_674 = arith.constant 16 : i32
      %mul3A_675 = arith.muli %add3A_507, %mul3A_674 : i32
      %swap3A = arith.index_cast %mul3A_675 : i32 to index
      %swap3A_676 = tpu.vector_load %arg6[%swap3A] {strides = array<i32>} : memref<512xi32, #tpu.memory_space<vmem>>, vector<16xi32>,
      tpu.vector_store %arg6[%swap3A], %add3A_673 {strides = array<i32>} : memref<512xi32, #tpu.memory_space<vmem>>, vector<16xi32>,
    }
    %scan3A_36 = arith.constant 8 : i32
    %get3A_37 = arith.constant 128 : index
    %get3A_38 = tpu.vector_load %arg6[%get3A_37] {strides = array<i32>} : memref<512xi32, #tpu.memory_space<vmem>>, vector<16xi32>,
    %get3A_39 = arith.constant 144 : index
    %get3A_40 = tpu.vector_load %arg6[%get3A_39] {strides = array<i32>} : memref<512xi32, #tpu.memory_space<vmem>>, vector<16xi32>,
    %get3A_41 = arith.constant 160 : index
    %get3A_42 = tpu.vector_load %arg6[%get3A_41] {strides = array<i32>} : memref<512xi32, #tpu.memory_space<vmem>>, vector<16xi32>,
    %get3A_43 = arith.constant 176 : index
    %get3A_44 = tpu.vector_load %arg6[%get3A_43] {strides = array<i32>} : memref<512xi32, #tpu.memory_space<vmem>>, vector<16xi32>,
    %get3A_45 = arith.constant 192 : index
    %get3A_46 = tpu.vector_load %arg6[%get3A_45] {strides = array<i32>} : memref<512xi32, #tpu.memory_space<vmem>>, vector<16xi32>,
    %get3A_47 = arith.constant 208 : index
    %get3A_48 = tpu.vector_load %arg6[%get3A_47] {strides = array<i32>} : memref<512xi32, #tpu.memory_space<vmem>>, vector<16xi32>,
    %get3A_49 = arith.constant 224 : index
    %get3A_50 = tpu.vector_load %arg6[%get3A_49] {strides = array<i32>} : memref<512xi32, #tpu.memory_space<vmem>>, vector<16xi32>,
    %get3A_51 = arith.constant 240 : index
    %get3A_52 = tpu.vector_load %arg6[%get3A_51] {strides = array<i32>} : memref<512xi32, #tpu.memory_space<vmem>>, vector<16xi32>,
    %scan3A_53 = arith.constant 0 : i32
    %scan3A_54 = arith.constant 32 : i32
    %scan3A_55 = arith.addi %scan3A_53, %scan3A_54 : i32
    %scan3A_56 = arith.constant 1 : i32
    scf.for %scan3A_503 = %scan3A_53 to %scan3A_55 step %scan3A_56  : i32 {
      %mul3A_504 = arith.constant 1 : i32
      %mul3A_505 = arith.muli %scan3A_503, %mul3A_504 : i32
      %add3A_506 = arith.constant 0 : i32
      %add3A_507 = arith.addi %add3A_506, %mul3A_505 : i32
      %shift_right_arithmetic3A = arith.constant 3 : i32
      %shift_right_arithmetic3A_508 = arith.shrsi %add3A_507, %shift_right_arithmetic3A : i32
      %mul3A_509 = arith.constant 8388608 : i32
      %mul3A_510 = arith.muli %shift_right_arithmetic3A_508, %mul3A_509 : i32
      %and3A = arith.constant 7 : i32
      %and3A_511 = arith.andi %add3A_507, %and3A : i32
      %mul3A_512 = arith.constant 128 : i32
      %mul3A_513 = arith.muli %and3A_511, %mul3A_512 : i32
      %add3A_514 = arith.addi %mul3A_510, %mul3A_513 : i32
      %broadcast_in_dim3A = vector.broadcast %add3A_514 : i32 to vector<16xi32>
      %add3A_515 = arith.constant 32 : i32
      %add3A_516 = arith.addi %add3A_515, %add3A_507 : i32
      %mul3A_517 = arith.constant 128 : i32
      %mul3A_518 = arith.muli %add3A_516, %mul3A_517 : i32
      %add3A_519 = arith.addi %broadcast_in_dim3A, %get3A_38 : vector<16xi32>
      %add3A_520 = arith.constant 0 : i32
      %add3A_521 = arith.addi %mul3A_518, %add3A_520 : i32
      %swap3A = arith.index_cast %add3A_521 : i32 to index
      %swap3A_522 = tpu.vector_load %arg7[%swap3A] {strides = array<i32>} : memref<16384xi32, #tpu.memory_space<vmem>>, vector<16xi32>,
      tpu.vector_store %arg7[%swap3A], %add3A_519 {strides = array<i32>} : memref<16384xi32, #tpu.memory_space<vmem>>, vector<16xi32>,
      %add3A_523 = arith.addi %broadcast_in_dim3A, %get3A_40 : vector<16xi32>
      %add3A_524 = arith.constant 16 : i32
      %add3A_525 = arith.addi %mul3A_518, %add3A_524 : i32
      %swap3A_526 = arith.index_cast %add3A_525 : i32 to index
      %swap3A_527 = tpu.vector_load %arg7[%swap3A_526] {strides = array<i32>} : memref<16384xi32, #tpu.memory_space<vmem>>, vector<16xi32>,
      tpu.vector_store %arg7[%swap3A_526], %add3A_523 {strides = array<i32>} : memref<16384xi32, #tpu.memory_space<vmem>>, vector<16xi32>,
      %add3A_528 = arith.addi %broadcast_in_dim3A, %get3A_42 : vector<16xi32>
      %add3A_529 = arith.constant 32 : i32
      %add3A_530 = arith.addi %mul3A_518, %add3A_529 : i32
      %swap3A_531 = arith.index_cast %add3A_530 : i32 to index
      %swap3A_532 = tpu.vector_load %arg7[%swap3A_531] {strides = array<i32>} : memref<16384xi32, #tpu.memory_space<vmem>>, vector<16xi32>,
      tpu.vector_store %arg7[%swap3A_531], %add3A_528 {strides = array<i32>} : memref<16384xi32, #tpu.memory_space<vmem>>, vector<16xi32>,
      %add3A_533 = arith.addi %broadcast_in_dim3A, %get3A_44 : vector<16xi32>
      %add3A_534 = arith.constant 48 : i32
      %add3A_535 = arith.addi %mul3A_518, %add3A_534 : i32
      %swap3A_536 = arith.index_cast %add3A_535 : i32 to index
      %swap3A_537 = tpu.vector_load %arg7[%swap3A_536] {strides = array<i32>} : memref<16384xi32, #tpu.memory_space<vmem>>, vector<16xi32>,
      tpu.vector_store %arg7[%swap3A_536], %add3A_533 {strides = array<i32>} : memref<16384xi32, #tpu.memory_space<vmem>>, vector<16xi32>,
      %add3A_538 = arith.addi %broadcast_in_dim3A, %get3A_46 : vector<16xi32>
      %add3A_539 = arith.constant 64 : i32
      %add3A_540 = arith.addi %mul3A_518, %add3A_539 : i32
      %swap3A_541 = arith.index_cast %add3A_540 : i32 to index
      %swap3A_542 = tpu.vector_load %arg7[%swap3A_541] {strides = array<i32>} : memref<16384xi32, #tpu.memory_space<vmem>>, vector<16xi32>,
      tpu.vector_store %arg7[%swap3A_541], %add3A_538 {strides = array<i32>} : memref<16384xi32, #tpu.memory_space<vmem>>, vector<16xi32>,
      %add3A_543 = arith.addi %broadcast_in_dim3A, %get3A_48 : vector<16xi32>
      %add3A_544 = arith.constant 80 : i32
      %add3A_545 = arith.addi %mul3A_518, %add3A_544 : i32
      %swap3A_546 = arith.index_cast %add3A_545 : i32 to index
      %swap3A_547 = tpu.vector_load %arg7[%swap3A_546] {strides = array<i32>} : memref<16384xi32, #tpu.memory_space<vmem>>, vector<16xi32>,
      tpu.vector_store %arg7[%swap3A_546], %add3A_543 {strides = array<i32>} : memref<16384xi32, #tpu.memory_space<vmem>>, vector<16xi32>,
      %add3A_548 = arith.addi %broadcast_in_dim3A, %get3A_50 : vector<16xi32>
      %add3A_549 = arith.constant 96 : i32
      %add3A_550 = arith.addi %mul3A_518, %add3A_549 : i32
      %swap3A_551 = arith.index_cast %add3A_550 : i32 to index
      %swap3A_552 = tpu.vector_load %arg7[%swap3A_551] {strides = array<i32>} : memref<16384xi32, #tpu.memory_space<vmem>>, vector<16xi32>,
      tpu.vector_store %arg7[%swap3A_551], %add3A_548 {strides = array<i32>} : memref<16384xi32, #tpu.memory_space<vmem>>, vector<16xi32>,
      %add3A_553 = arith.addi %broadcast_in_dim3A, %get3A_52 : vector<16xi32>
      %add3A_554 = arith.constant 112 : i32
      %add3A_555 = arith.addi %mul3A_518, %add3A_554 : i32
      %swap3A_556 = arith.index_cast %add3A_555 : i32 to index
      %swap3A_557 = tpu.vector_load %arg7[%swap3A_556] {strides = array<i32>} : memref<16384xi32, #tpu.memory_space<vmem>>, vector<16xi32>,
      tpu.vector_store %arg7[%swap3A_556], %add3A_553 {strides = array<i32>} : memref<16384xi32, #tpu.memory_space<vmem>>, vector<16xi32>,
    }
    %scan3A_57 = arith.constant 32 : i32
    %dma_start3A_58 = arith.constant 4096 : i32
    %dma_start3A_59 = tpu.memref_slice %arg8[%dma_start3A_58] : memref<16384xf32, #tpu.memory_space<vmem>> -> memref<4096xf32, #tpu.memory_space<vmem>>
    %dma_start3A_60 = arith.constant 4096 : i32
    %dma_start3A_61 = tpu.memref_slice %arg7[%dma_start3A_60] : memref<16384xi32, #tpu.memory_space<vmem>> -> memref<4096xi32, #tpu.memory_space<vmem>>
    %dma_start3A_62 = arith.constant 0 : i32
    %dma_start3A_63 = tpu.memref_slice %arg3[%dma_start3A_62] : memref<33554432xf32, #tpu.memory_space<hbm>> -> memref<33554432xf32, #tpu.memory_space<hbm>>
    tpu.enqueue_indirect_dma source(%dma_start3A_63 : memref<33554432xf32, #tpu.memory_space<hbm>>) target(%dma_start3A_59 : memref<4096xf32, #tpu.memory_space<vmem>>) offsets(%dma_start3A_61 : memref<4096xi32, #tpu.memory_space<vmem>>) semaphore(%arg11 : memref<!tpu.dma_semaphore, #tpu.memory_space<semaphore_mem>>)
    %scan3A_64 = arith.constant 0 : i32
    %scan3A_65 = arith.constant 8 : i32
    %scan3A_66 = arith.addi %scan3A_64, %scan3A_65 : i32
    %scan3A_67 = arith.constant 1 : i32
    scf.for %scan3A_503 = %scan3A_64 to %scan3A_66 step %scan3A_67  : i32 {
      %mul3A_504 = arith.constant 1 : i32
      %mul3A_505 = arith.muli %scan3A_503, %mul3A_504 : i32
      %add3A_506 = arith.constant 16 : i32
      %add3A_507 = arith.addi %add3A_506, %mul3A_505 : i32
      %mul3A_508 = arith.constant 16 : i32
      %mul3A_509 = arith.muli %add3A_507, %mul3A_508 : i32
      %get3A_510 = arith.constant 0 : i32
      %get3A_511 = arith.index_cast %get3A_510 : i32 to index
      %get3A_512 = arith.index_cast %mul3A_509 : i32 to index
      %get3A_513 = tpu.vector_load %arg5[%get3A_511, %get3A_512] {strides = array<i32>} : memref<20x512xi32, #tpu.memory_space<vmem>>, vector<16xi32>,
      %add3A_514 = arith.addi %get3A_513, %get3A_513 : vector<16xi32>
      %mul3A_515 = arith.constant 16 : i32
      %mul3A_516 = arith.muli %add3A_507, %mul3A_515 : i32
      %get3A_517 = arith.constant 1 : i32
      %get3A_518 = arith.index_cast %get3A_517 : i32 to index
      %get3A_519 = arith.index_cast %mul3A_516 : i32 to index
      %get3A_520 = tpu.vector_load %arg5[%get3A_518, %get3A_519] {strides = array<i32>} : memref<20x512xi32, #tpu.memory_space<vmem>>, vector<16xi32>,
      %add3A_521 = arith.addi %add3A_514, %get3A_520 : vector<16xi32>
      %add3A_522 = arith.addi %add3A_521, %add3A_521 : vector<16xi32>
      %mul3A_523 = arith.constant 16 : i32
      %mul3A_524 = arith.muli %add3A_507, %mul3A_523 : i32
      %get3A_525 = arith.constant 2 : i32
      %get3A_526 = arith.index_cast %get3A_525 : i32 to index
      %get3A_527 = arith.index_cast %mul3A_524 : i32 to index
      %get3A_528 = tpu.vector_load %arg5[%get3A_526, %get3A_527] {strides = array<i32>} : memref<20x512xi32, #tpu.memory_space<vmem>>, vector<16xi32>,
      %add3A_529 = arith.addi %add3A_522, %get3A_528 : vector<16xi32>
      %add3A_530 = arith.addi %add3A_529, %add3A_529 : vector<16xi32>
      %mul3A_531 = arith.constant 16 : i32
      %mul3A_532 = arith.muli %add3A_507, %mul3A_531 : i32
      %get3A_533 = arith.constant 3 : i32
      %get3A_534 = arith.index_cast %get3A_533 : i32 to index
      %get3A_535 = arith.index_cast %mul3A_532 : i32 to index
      %get3A_536 = tpu.vector_load %arg5[%get3A_534, %get3A_535] {strides = array<i32>} : memref<20x512xi32, #tpu.memory_space<vmem>>, vector<16xi32>,
      %add3A_537 = arith.addi %add3A_530, %get3A_536 : vector<16xi32>
      %add3A_538 = arith.addi %add3A_537, %add3A_537 : vector<16xi32>
      %mul3A_539 = arith.constant 16 : i32
      %mul3A_540 = arith.muli %add3A_507, %mul3A_539 : i32
      %get3A_541 = arith.constant 4 : i32
      %get3A_542 = arith.index_cast %get3A_541 : i32 to index
      %get3A_543 = arith.index_cast %mul3A_540 : i32 to index
      %get3A_544 = tpu.vector_load %arg5[%get3A_542, %get3A_543] {strides = array<i32>} : memref<20x512xi32, #tpu.memory_space<vmem>>, vector<16xi32>,
      %add3A_545 = arith.addi %add3A_538, %get3A_544 : vector<16xi32>
      %add3A_546 = arith.addi %add3A_545, %add3A_545 : vector<16xi32>
      %mul3A_547 = arith.constant 16 : i32
      %mul3A_548 = arith.muli %add3A_507, %mul3A_547 : i32
      %get3A_549 = arith.constant 5 : i32
      %get3A_550 = arith.index_cast %get3A_549 : i32 to index
      %get3A_551 = arith.index_cast %mul3A_548 : i32 to index
      %get3A_552 = tpu.vector_load %arg5[%get3A_550, %get3A_551] {strides = array<i32>} : memref<20x512xi32, #tpu.memory_space<vmem>>, vector<16xi32>,
      %add3A_553 = arith.addi %add3A_546, %get3A_552 : vector<16xi32>
      %add3A_554 = arith.addi %add3A_553, %add3A_553 : vector<16xi32>
      %mul3A_555 = arith.constant 16 : i32
      %mul3A_556 = arith.muli %add3A_507, %mul3A_555 : i32
      %get3A_557 = arith.constant 6 : i32
      %get3A_558 = arith.index_cast %get3A_557 : i32 to index
      %get3A_559 = arith.index_cast %mul3A_556 : i32 to index
      %get3A_560 = tpu.vector_load %arg5[%get3A_558, %get3A_559] {strides = array<i32>} : memref<20x512xi32, #tpu.memory_space<vmem>>, vector<16xi32>,
      %add3A_561 = arith.addi %add3A_554, %get3A_560 : vector<16xi32>
      %add3A_562 = arith.addi %add3A_561, %add3A_561 : vector<16xi32>
      %mul3A_563 = arith.constant 16 : i32
      %mul3A_564 = arith.muli %add3A_507, %mul3A_563 : i32
      %get3A_565 = arith.constant 7 : i32
      %get3A_566 = arith.index_cast %get3A_565 : i32 to index
      %get3A_567 = arith.index_cast %mul3A_564 : i32 to index
      %get3A_568 = tpu.vector_load %arg5[%get3A_566, %get3A_567] {strides = array<i32>} : memref<20x512xi32, #tpu.memory_space<vmem>>, vector<16xi32>,
      %add3A_569 = arith.addi %add3A_562, %get3A_568 : vector<16xi32>
      %add3A_570 = arith.addi %add3A_569, %add3A_569 : vector<16xi32>
      %mul3A_571 = arith.constant 16 : i32
      %mul3A_572 = arith.muli %add3A_507, %mul3A_571 : i32
      %get3A_573 = arith.constant 8 : i32
      %get3A_574 = arith.index_cast %get3A_573 : i32 to index
      %get3A_575 = arith.index_cast %mul3A_572 : i32 to index
      %get3A_576 = tpu.vector_load %arg5[%get3A_574, %get3A_575] {strides = array<i32>} : memref<20x512xi32, #tpu.memory_space<vmem>>, vector<16xi32>,
      %add3A_577 = arith.addi %add3A_570, %get3A_576 : vector<16xi32>
      %add3A_578 = arith.addi %add3A_577, %add3A_577 : vector<16xi32>
      %mul3A_579 = arith.constant 16 : i32
      %mul3A_580 = arith.muli %add3A_507, %mul3A_579 : i32
      %get3A_581 = arith.constant 9 : i32
      %get3A_582 = arith.index_cast %get3A_581 : i32 to index
      %get3A_583 = arith.index_cast %mul3A_580 : i32 to index
      %get3A_584 = tpu.vector_load %arg5[%get3A_582, %get3A_583] {strides = array<i32>} : memref<20x512xi32, #tpu.memory_space<vmem>>, vector<16xi32>,
      %add3A_585 = arith.addi %add3A_578, %get3A_584 : vector<16xi32>
      %add3A_586 = arith.addi %add3A_585, %add3A_585 : vector<16xi32>
      %mul3A_587 = arith.constant 16 : i32
      %mul3A_588 = arith.muli %add3A_507, %mul3A_587 : i32
      %get3A_589 = arith.constant 10 : i32
      %get3A_590 = arith.index_cast %get3A_589 : i32 to index
      %get3A_591 = arith.index_cast %mul3A_588 : i32 to index
      %get3A_592 = tpu.vector_load %arg5[%get3A_590, %get3A_591] {strides = array<i32>} : memref<20x512xi32, #tpu.memory_space<vmem>>, vector<16xi32>,
      %add3A_593 = arith.addi %add3A_586, %get3A_592 : vector<16xi32>
      %add3A_594 = arith.addi %add3A_593, %add3A_593 : vector<16xi32>
      %mul3A_595 = arith.constant 16 : i32
      %mul3A_596 = arith.muli %add3A_507, %mul3A_595 : i32
      %get3A_597 = arith.constant 11 : i32
      %get3A_598 = arith.index_cast %get3A_597 : i32 to index
      %get3A_599 = arith.index_cast %mul3A_596 : i32 to index
      %get3A_600 = tpu.vector_load %arg5[%get3A_598, %get3A_599] {strides = array<i32>} : memref<20x512xi32, #tpu.memory_space<vmem>>, vector<16xi32>,
      %add3A_601 = arith.addi %add3A_594, %get3A_600 : vector<16xi32>
      %add3A_602 = arith.addi %add3A_601, %add3A_601 : vector<16xi32>
      %mul3A_603 = arith.constant 16 : i32
      %mul3A_604 = arith.muli %add3A_507, %mul3A_603 : i32
      %get3A_605 = arith.constant 12 : i32
      %get3A_606 = arith.index_cast %get3A_605 : i32 to index
      %get3A_607 = arith.index_cast %mul3A_604 : i32 to index
      %get3A_608 = tpu.vector_load %arg5[%get3A_606, %get3A_607] {strides = array<i32>} : memref<20x512xi32, #tpu.memory_space<vmem>>, vector<16xi32>,
      %add3A_609 = arith.addi %add3A_602, %get3A_608 : vector<16xi32>
      %add3A_610 = arith.addi %add3A_609, %add3A_609 : vector<16xi32>
      %mul3A_611 = arith.constant 16 : i32
      %mul3A_612 = arith.muli %add3A_507, %mul3A_611 : i32
      %get3A_613 = arith.constant 13 : i32
      %get3A_614 = arith.index_cast %get3A_613 : i32 to index
      %get3A_615 = arith.index_cast %mul3A_612 : i32 to index
      %get3A_616 = tpu.vector_load %arg5[%get3A_614, %get3A_615] {strides = array<i32>} : memref<20x512xi32, #tpu.memory_space<vmem>>, vector<16xi32>,
      %add3A_617 = arith.addi %add3A_610, %get3A_616 : vector<16xi32>
      %add3A_618 = arith.addi %add3A_617, %add3A_617 : vector<16xi32>
      %mul3A_619 = arith.constant 16 : i32
      %mul3A_620 = arith.muli %add3A_507, %mul3A_619 : i32
      %get3A_621 = arith.constant 14 : i32
      %get3A_622 = arith.index_cast %get3A_621 : i32 to index
      %get3A_623 = arith.index_cast %mul3A_620 : i32 to index
      %get3A_624 = tpu.vector_load %arg5[%get3A_622, %get3A_623] {strides = array<i32>} : memref<20x512xi32, #tpu.memory_space<vmem>>, vector<16xi32>,
      %add3A_625 = arith.addi %add3A_618, %get3A_624 : vector<16xi32>
      %add3A_626 = arith.addi %add3A_625, %add3A_625 : vector<16xi32>
      %mul3A_627 = arith.constant 16 : i32
      %mul3A_628 = arith.muli %add3A_507, %mul3A_627 : i32
      %get3A_629 = arith.constant 15 : i32
      %get3A_630 = arith.index_cast %get3A_629 : i32 to index
      %get3A_631 = arith.index_cast %mul3A_628 : i32 to index
      %get3A_632 = tpu.vector_load %arg5[%get3A_630, %get3A_631] {strides = array<i32>} : memref<20x512xi32, #tpu.memory_space<vmem>>, vector<16xi32>,
      %add3A_633 = arith.addi %add3A_626, %get3A_632 : vector<16xi32>
      %add3A_634 = arith.addi %add3A_633, %add3A_633 : vector<16xi32>
      %mul3A_635 = arith.constant 16 : i32
      %mul3A_636 = arith.muli %add3A_507, %mul3A_635 : i32
      %get3A_637 = arith.constant 16 : i32
      %get3A_638 = arith.index_cast %get3A_637 : i32 to index
      %get3A_639 = arith.index_cast %mul3A_636 : i32 to index
      %get3A_640 = tpu.vector_load %arg5[%get3A_638, %get3A_639] {strides = array<i32>} : memref<20x512xi32, #tpu.memory_space<vmem>>, vector<16xi32>,
      %add3A_641 = arith.addi %add3A_634, %get3A_640 : vector<16xi32>
      %add3A_642 = arith.addi %add3A_641, %add3A_641 : vector<16xi32>
      %mul3A_643 = arith.constant 16 : i32
      %mul3A_644 = arith.muli %add3A_507, %mul3A_643 : i32
      %get3A_645 = arith.constant 17 : i32
      %get3A_646 = arith.index_cast %get3A_645 : i32 to index
      %get3A_647 = arith.index_cast %mul3A_644 : i32 to index
      %get3A_648 = tpu.vector_load %arg5[%get3A_646, %get3A_647] {strides = array<i32>} : memref<20x512xi32, #tpu.memory_space<vmem>>, vector<16xi32>,
      %add3A_649 = arith.addi %add3A_642, %get3A_648 : vector<16xi32>
      %add3A_650 = arith.addi %add3A_649, %add3A_649 : vector<16xi32>
      %mul3A_651 = arith.constant 16 : i32
      %mul3A_652 = arith.muli %add3A_507, %mul3A_651 : i32
      %get3A_653 = arith.constant 18 : i32
      %get3A_654 = arith.index_cast %get3A_653 : i32 to index
      %get3A_655 = arith.index_cast %mul3A_652 : i32 to index
      %get3A_656 = tpu.vector_load %arg5[%get3A_654, %get3A_655] {strides = array<i32>} : memref<20x512xi32, #tpu.memory_space<vmem>>, vector<16xi32>,
      %add3A_657 = arith.addi %add3A_650, %get3A_656 : vector<16xi32>
      %add3A_658 = arith.addi %add3A_657, %add3A_657 : vector<16xi32>
      %mul3A_659 = arith.constant 16 : i32
      %mul3A_660 = arith.muli %add3A_507, %mul3A_659 : i32
      %get3A_661 = arith.constant 19 : i32
      %get3A_662 = arith.index_cast %get3A_661 : i32 to index
      %get3A_663 = arith.index_cast %mul3A_660 : i32 to index
      %get3A_664 = tpu.vector_load %arg5[%get3A_662, %get3A_663] {strides = array<i32>} : memref<20x512xi32, #tpu.memory_space<vmem>>, vector<16xi32>,
      %add3A_665 = arith.addi %add3A_658, %get3A_664 : vector<16xi32>
      %shift_right_arithmetic3A = arith.constant 7 : i32
      %shift_right_arithmetic3A_666 = vector.broadcast %shift_right_arithmetic3A : i32 to vector<16xi32>
      %shift_right_arithmetic3A_667 = arith.shrsi %add3A_665, %shift_right_arithmetic3A_666 : vector<16xi32>
      %mul3A_668 = arith.constant 1024 : i32
      %mul3A_669 = vector.broadcast %mul3A_668 : i32 to vector<16xi32>
      %mul3A_670 = arith.muli %shift_right_arithmetic3A_667, %mul3A_669 : vector<16xi32>
      %and3A = arith.constant 127 : i32
      %and3A_671 = vector.broadcast %and3A : i32 to vector<16xi32>
      %and3A_672 = arith.andi %add3A_665, %and3A_671 : vector<16xi32>
      %add3A_673 = arith.addi %mul3A_670, %and3A_672 : vector<16xi32>
      %mul3A_674 = arith.constant 16 : i32
      %mul3A_675 = arith.muli %add3A_507, %mul3A_674 : i32
      %swap3A = arith.index_cast %mul3A_675 : i32 to index
      %swap3A_676 = tpu.vector_load %arg6[%swap3A] {strides = array<i32>} : memref<512xi32, #tpu.memory_space<vmem>>, vector<16xi32>,
      tpu.vector_store %arg6[%swap3A], %add3A_673 {strides = array<i32>} : memref<512xi32, #tpu.memory_space<vmem>>, vector<16xi32>,
    }
    %scan3A_68 = arith.constant 8 : i32
    %get3A_69 = arith.constant 256 : index
    %get3A_70 = tpu.vector_load %arg6[%get3A_69] {strides = array<i32>} : memref<512xi32, #tpu.memory_space<vmem>>, vector<16xi32>,
    %get3A_71 = arith.constant 272 : index
    %get3A_72 = tpu.vector_load %arg6[%get3A_71] {strides = array<i32>} : memref<512xi32, #tpu.memory_space<vmem>>, vector<16xi32>,
    %get3A_73 = arith.constant 288 : index
    %get3A_74 = tpu.vector_load %arg6[%get3A_73] {strides = array<i32>} : memref<512xi32, #tpu.memory_space<vmem>>, vector<16xi32>,
    %get3A_75 = arith.constant 304 : index
    %get3A_76 = tpu.vector_load %arg6[%get3A_75] {strides = array<i32>} : memref<512xi32, #tpu.memory_space<vmem>>, vector<16xi32>,
    %get3A_77 = arith.constant 320 : index
    %get3A_78 = tpu.vector_load %arg6[%get3A_77] {strides = array<i32>} : memref<512xi32, #tpu.memory_space<vmem>>, vector<16xi32>,
    %get3A_79 = arith.constant 336 : index
    %get3A_80 = tpu.vector_load %arg6[%get3A_79] {strides = array<i32>} : memref<512xi32, #tpu.memory_space<vmem>>, vector<16xi32>,
    %get3A_81 = arith.constant 352 : index
    %get3A_82 = tpu.vector_load %arg6[%get3A_81] {strides = array<i32>} : memref<512xi32, #tpu.memory_space<vmem>>, vector<16xi32>,
    %get3A_83 = arith.constant 368 : index
    %get3A_84 = tpu.vector_load %arg6[%get3A_83] {strides = array<i32>} : memref<512xi32, #tpu.memory_space<vmem>>, vector<16xi32>,
    %scan3A_85 = arith.constant 0 : i32
    %scan3A_86 = arith.constant 32 : i32
    %scan3A_87 = arith.addi %scan3A_85, %scan3A_86 : i32
    %scan3A_88 = arith.constant 1 : i32
    scf.for %scan3A_503 = %scan3A_85 to %scan3A_87 step %scan3A_88  : i32 {
      %mul3A_504 = arith.constant 1 : i32
      %mul3A_505 = arith.muli %scan3A_503, %mul3A_504 : i32
      %add3A_506 = arith.constant 0 : i32
      %add3A_507 = arith.addi %add3A_506, %mul3A_505 : i32
      %shift_right_arithmetic3A = arith.constant 3 : i32
      %shift_right_arithmetic3A_508 = arith.shrsi %add3A_507, %shift_right_arithmetic3A : i32
      %mul3A_509 = arith.constant 8388608 : i32
      %mul3A_510 = arith.muli %shift_right_arithmetic3A_508, %mul3A_509 : i32
      %and3A = arith.constant 7 : i32
      %and3A_511 = arith.andi %add3A_507, %and3A : i32
      %mul3A_512 = arith.constant 128 : i32
      %mul3A_513 = arith.muli %and3A_511, %mul3A_512 : i32
      %add3A_514 = arith.addi %mul3A_510, %mul3A_513 : i32
      %broadcast_in_dim3A = vector.broadcast %add3A_514 : i32 to vector<16xi32>
      %add3A_515 = arith.constant 64 : i32
      %add3A_516 = arith.addi %add3A_515, %add3A_507 : i32
      %mul3A_517 = arith.constant 128 : i32
      %mul3A_518 = arith.muli %add3A_516, %mul3A_517 : i32
      %add3A_519 = arith.addi %broadcast_in_dim3A, %get3A_70 : vector<16xi32>
      %add3A_520 = arith.constant 0 : i32
      %add3A_521 = arith.addi %mul3A_518, %add3A_520 : i32
      %swap3A = arith.index_cast %add3A_521 : i32 to index
      %swap3A_522 = tpu.vector_load %arg7[%swap3A] {strides = array<i32>} : memref<16384xi32, #tpu.memory_space<vmem>>, vector<16xi32>,
      tpu.vector_store %arg7[%swap3A], %add3A_519 {strides = array<i32>} : memref<16384xi32, #tpu.memory_space<vmem>>, vector<16xi32>,
      %add3A_523 = arith.addi %broadcast_in_dim3A, %get3A_72 : vector<16xi32>
      %add3A_524 = arith.constant 16 : i32
      %add3A_525 = arith.addi %mul3A_518, %add3A_524 : i32
      %swap3A_526 = arith.index_cast %add3A_525 : i32 to index
      %swap3A_527 = tpu.vector_load %arg7[%swap3A_526] {strides = array<i32>} : memref<16384xi32, #tpu.memory_space<vmem>>, vector<16xi32>,
      tpu.vector_store %arg7[%swap3A_526], %add3A_523 {strides = array<i32>} : memref<16384xi32, #tpu.memory_space<vmem>>, vector<16xi32>,
      %add3A_528 = arith.addi %broadcast_in_dim3A, %get3A_74 : vector<16xi32>
      %add3A_529 = arith.constant 32 : i32
      %add3A_530 = arith.addi %mul3A_518, %add3A_529 : i32
      %swap3A_531 = arith.index_cast %add3A_530 : i32 to index
      %swap3A_532 = tpu.vector_load %arg7[%swap3A_531] {strides = array<i32>} : memref<16384xi32, #tpu.memory_space<vmem>>, vector<16xi32>,
      tpu.vector_store %arg7[%swap3A_531], %add3A_528 {strides = array<i32>} : memref<16384xi32, #tpu.memory_space<vmem>>, vector<16xi32>,
      %add3A_533 = arith.addi %broadcast_in_dim3A, %get3A_76 : vector<16xi32>
      %add3A_534 = arith.constant 48 : i32
      %add3A_535 = arith.addi %mul3A_518, %add3A_534 : i32
      %swap3A_536 = arith.index_cast %add3A_535 : i32 to index
      %swap3A_537 = tpu.vector_load %arg7[%swap3A_536] {strides = array<i32>} : memref<16384xi32, #tpu.memory_space<vmem>>, vector<16xi32>,
      tpu.vector_store %arg7[%swap3A_536], %add3A_533 {strides = array<i32>} : memref<16384xi32, #tpu.memory_space<vmem>>, vector<16xi32>,
      %add3A_538 = arith.addi %broadcast_in_dim3A, %get3A_78 : vector<16xi32>
      %add3A_539 = arith.constant 64 : i32
      %add3A_540 = arith.addi %mul3A_518, %add3A_539 : i32
      %swap3A_541 = arith.index_cast %add3A_540 : i32 to index
      %swap3A_542 = tpu.vector_load %arg7[%swap3A_541] {strides = array<i32>} : memref<16384xi32, #tpu.memory_space<vmem>>, vector<16xi32>,
      tpu.vector_store %arg7[%swap3A_541], %add3A_538 {strides = array<i32>} : memref<16384xi32, #tpu.memory_space<vmem>>, vector<16xi32>,
      %add3A_543 = arith.addi %broadcast_in_dim3A, %get3A_80 : vector<16xi32>
      %add3A_544 = arith.constant 80 : i32
      %add3A_545 = arith.addi %mul3A_518, %add3A_544 : i32
      %swap3A_546 = arith.index_cast %add3A_545 : i32 to index
      %swap3A_547 = tpu.vector_load %arg7[%swap3A_546] {strides = array<i32>} : memref<16384xi32, #tpu.memory_space<vmem>>, vector<16xi32>,
      tpu.vector_store %arg7[%swap3A_546], %add3A_543 {strides = array<i32>} : memref<16384xi32, #tpu.memory_space<vmem>>, vector<16xi32>,
      %add3A_548 = arith.addi %broadcast_in_dim3A, %get3A_82 : vector<16xi32>
      %add3A_549 = arith.constant 96 : i32
      %add3A_550 = arith.addi %mul3A_518, %add3A_549 : i32
      %swap3A_551 = arith.index_cast %add3A_550 : i32 to index
      %swap3A_552 = tpu.vector_load %arg7[%swap3A_551] {strides = array<i32>} : memref<16384xi32, #tpu.memory_space<vmem>>, vector<16xi32>,
      tpu.vector_store %arg7[%swap3A_551], %add3A_548 {strides = array<i32>} : memref<16384xi32, #tpu.memory_space<vmem>>, vector<16xi32>,
      %add3A_553 = arith.addi %broadcast_in_dim3A, %get3A_84 : vector<16xi32>
      %add3A_554 = arith.constant 112 : i32
      %add3A_555 = arith.addi %mul3A_518, %add3A_554 : i32
      %swap3A_556 = arith.index_cast %add3A_555 : i32 to index
      %swap3A_557 = tpu.vector_load %arg7[%swap3A_556] {strides = array<i32>} : memref<16384xi32, #tpu.memory_space<vmem>>, vector<16xi32>,
      tpu.vector_store %arg7[%swap3A_556], %add3A_553 {strides = array<i32>} : memref<16384xi32, #tpu.memory_space<vmem>>, vector<16xi32>,
    }
    %scan3A_89 = arith.constant 32 : i32
    %dma_start3A_90 = arith.constant 8192 : i32
    %dma_start3A_91 = tpu.memref_slice %arg8[%dma_start3A_90] : memref<16384xf32, #tpu.memory_space<vmem>> -> memref<4096xf32, #tpu.memory_space<vmem>>
    %dma_start3A_92 = arith.constant 8192 : i32
    %dma_start3A_93 = tpu.memref_slice %arg7[%dma_start3A_92] : memref<16384xi32, #tpu.memory_space<vmem>> -> memref<4096xi32, #tpu.memory_space<vmem>>
    %dma_start3A_94 = arith.constant 0 : i32
    %dma_start3A_95 = tpu.memref_slice %arg3[%dma_start3A_94] : memref<33554432xf32, #tpu.memory_space<hbm>> -> memref<33554432xf32, #tpu.memory_space<hbm>>
    tpu.enqueue_indirect_dma source(%dma_start3A_95 : memref<33554432xf32, #tpu.memory_space<hbm>>) target(%dma_start3A_91 : memref<4096xf32, #tpu.memory_space<vmem>>) offsets(%dma_start3A_93 : memref<4096xi32, #tpu.memory_space<vmem>>) semaphore(%arg12 : memref<!tpu.dma_semaphore, #tpu.memory_space<semaphore_mem>>)
    %scan3A_96 = arith.constant 0 : i32
    %scan3A_97 = arith.constant 8 : i32
    %scan3A_98 = arith.addi %scan3A_96, %scan3A_97 : i32
    %scan3A_99 = arith.constant 1 : i32
    scf.for %scan3A_503 = %scan3A_96 to %scan3A_98 step %scan3A_99  : i32 {
      %mul3A_504 = arith.constant 1 : i32
      %mul3A_505 = arith.muli %scan3A_503, %mul3A_504 : i32
      %add3A_506 = arith.constant 24 : i32
      %add3A_507 = arith.addi %add3A_506, %mul3A_505 : i32
      %mul3A_508 = arith.constant 16 : i32
      %mul3A_509 = arith.muli %add3A_507, %mul3A_508 : i32
      %get3A_510 = arith.constant 0 : i32
      %get3A_511 = arith.index_cast %get3A_510 : i32 to index
      %get3A_512 = arith.index_cast %mul3A_509 : i32 to index
      %get3A_513 = tpu.vector_load %arg5[%get3A_511, %get3A_512] {strides = array<i32>} : memref<20x512xi32, #tpu.memory_space<vmem>>, vector<16xi32>,
      %add3A_514 = arith.addi %get3A_513, %get3A_513 : vector<16xi32>
      %mul3A_515 = arith.constant 16 : i32
      %mul3A_516 = arith.muli %add3A_507, %mul3A_515 : i32
      %get3A_517 = arith.constant 1 : i32
      %get3A_518 = arith.index_cast %get3A_517 : i32 to index
      %get3A_519 = arith.index_cast %mul3A_516 : i32 to index
      %get3A_520 = tpu.vector_load %arg5[%get3A_518, %get3A_519] {strides = array<i32>} : memref<20x512xi32, #tpu.memory_space<vmem>>, vector<16xi32>,
      %add3A_521 = arith.addi %add3A_514, %get3A_520 : vector<16xi32>
      %add3A_522 = arith.addi %add3A_521, %add3A_521 : vector<16xi32>
      %mul3A_523 = arith.constant 16 : i32
      %mul3A_524 = arith.muli %add3A_507, %mul3A_523 : i32
      %get3A_525 = arith.constant 2 : i32
      %get3A_526 = arith.index_cast %get3A_525 : i32 to index
      %get3A_527 = arith.index_cast %mul3A_524 : i32 to index
      %get3A_528 = tpu.vector_load %arg5[%get3A_526, %get3A_527] {strides = array<i32>} : memref<20x512xi32, #tpu.memory_space<vmem>>, vector<16xi32>,
      %add3A_529 = arith.addi %add3A_522, %get3A_528 : vector<16xi32>
      %add3A_530 = arith.addi %add3A_529, %add3A_529 : vector<16xi32>
      %mul3A_531 = arith.constant 16 : i32
      %mul3A_532 = arith.muli %add3A_507, %mul3A_531 : i32
      %get3A_533 = arith.constant 3 : i32
      %get3A_534 = arith.index_cast %get3A_533 : i32 to index
      %get3A_535 = arith.index_cast %mul3A_532 : i32 to index
      %get3A_536 = tpu.vector_load %arg5[%get3A_534, %get3A_535] {strides = array<i32>} : memref<20x512xi32, #tpu.memory_space<vmem>>, vector<16xi32>,
      %add3A_537 = arith.addi %add3A_530, %get3A_536 : vector<16xi32>
      %add3A_538 = arith.addi %add3A_537, %add3A_537 : vector<16xi32>
      %mul3A_539 = arith.constant 16 : i32
      %mul3A_540 = arith.muli %add3A_507, %mul3A_539 : i32
      %get3A_541 = arith.constant 4 : i32
      %get3A_542 = arith.index_cast %get3A_541 : i32 to index
      %get3A_543 = arith.index_cast %mul3A_540 : i32 to index
      %get3A_544 = tpu.vector_load %arg5[%get3A_542, %get3A_543] {strides = array<i32>} : memref<20x512xi32, #tpu.memory_space<vmem>>, vector<16xi32>,
      %add3A_545 = arith.addi %add3A_538, %get3A_544 : vector<16xi32>
      %add3A_546 = arith.addi %add3A_545, %add3A_545 : vector<16xi32>
      %mul3A_547 = arith.constant 16 : i32
      %mul3A_548 = arith.muli %add3A_507, %mul3A_547 : i32
      %get3A_549 = arith.constant 5 : i32
      %get3A_550 = arith.index_cast %get3A_549 : i32 to index
      %get3A_551 = arith.index_cast %mul3A_548 : i32 to index
      %get3A_552 = tpu.vector_load %arg5[%get3A_550, %get3A_551] {strides = array<i32>} : memref<20x512xi32, #tpu.memory_space<vmem>>, vector<16xi32>,
      %add3A_553 = arith.addi %add3A_546, %get3A_552 : vector<16xi32>
      %add3A_554 = arith.addi %add3A_553, %add3A_553 : vector<16xi32>
      %mul3A_555 = arith.constant 16 : i32
      %mul3A_556 = arith.muli %add3A_507, %mul3A_555 : i32
      %get3A_557 = arith.constant 6 : i32
      %get3A_558 = arith.index_cast %get3A_557 : i32 to index
      %get3A_559 = arith.index_cast %mul3A_556 : i32 to index
      %get3A_560 = tpu.vector_load %arg5[%get3A_558, %get3A_559] {strides = array<i32>} : memref<20x512xi32, #tpu.memory_space<vmem>>, vector<16xi32>,
      %add3A_561 = arith.addi %add3A_554, %get3A_560 : vector<16xi32>
      %add3A_562 = arith.addi %add3A_561, %add3A_561 : vector<16xi32>
      %mul3A_563 = arith.constant 16 : i32
      %mul3A_564 = arith.muli %add3A_507, %mul3A_563 : i32
      %get3A_565 = arith.constant 7 : i32
      %get3A_566 = arith.index_cast %get3A_565 : i32 to index
      %get3A_567 = arith.index_cast %mul3A_564 : i32 to index
      %get3A_568 = tpu.vector_load %arg5[%get3A_566, %get3A_567] {strides = array<i32>} : memref<20x512xi32, #tpu.memory_space<vmem>>, vector<16xi32>,
      %add3A_569 = arith.addi %add3A_562, %get3A_568 : vector<16xi32>
      %add3A_570 = arith.addi %add3A_569, %add3A_569 : vector<16xi32>
      %mul3A_571 = arith.constant 16 : i32
      %mul3A_572 = arith.muli %add3A_507, %mul3A_571 : i32
      %get3A_573 = arith.constant 8 : i32
      %get3A_574 = arith.index_cast %get3A_573 : i32 to index
      %get3A_575 = arith.index_cast %mul3A_572 : i32 to index
      %get3A_576 = tpu.vector_load %arg5[%get3A_574, %get3A_575] {strides = array<i32>} : memref<20x512xi32, #tpu.memory_space<vmem>>, vector<16xi32>,
      %add3A_577 = arith.addi %add3A_570, %get3A_576 : vector<16xi32>
      %add3A_578 = arith.addi %add3A_577, %add3A_577 : vector<16xi32>
      %mul3A_579 = arith.constant 16 : i32
      %mul3A_580 = arith.muli %add3A_507, %mul3A_579 : i32
      %get3A_581 = arith.constant 9 : i32
      %get3A_582 = arith.index_cast %get3A_581 : i32 to index
      %get3A_583 = arith.index_cast %mul3A_580 : i32 to index
      %get3A_584 = tpu.vector_load %arg5[%get3A_582, %get3A_583] {strides = array<i32>} : memref<20x512xi32, #tpu.memory_space<vmem>>, vector<16xi32>,
      %add3A_585 = arith.addi %add3A_578, %get3A_584 : vector<16xi32>
      %add3A_586 = arith.addi %add3A_585, %add3A_585 : vector<16xi32>
      %mul3A_587 = arith.constant 16 : i32
      %mul3A_588 = arith.muli %add3A_507, %mul3A_587 : i32
      %get3A_589 = arith.constant 10 : i32
      %get3A_590 = arith.index_cast %get3A_589 : i32 to index
      %get3A_591 = arith.index_cast %mul3A_588 : i32 to index
      %get3A_592 = tpu.vector_load %arg5[%get3A_590, %get3A_591] {strides = array<i32>} : memref<20x512xi32, #tpu.memory_space<vmem>>, vector<16xi32>,
      %add3A_593 = arith.addi %add3A_586, %get3A_592 : vector<16xi32>
      %add3A_594 = arith.addi %add3A_593, %add3A_593 : vector<16xi32>
      %mul3A_595 = arith.constant 16 : i32
      %mul3A_596 = arith.muli %add3A_507, %mul3A_595 : i32
      %get3A_597 = arith.constant 11 : i32
      %get3A_598 = arith.index_cast %get3A_597 : i32 to index
      %get3A_599 = arith.index_cast %mul3A_596 : i32 to index
      %get3A_600 = tpu.vector_load %arg5[%get3A_598, %get3A_599] {strides = array<i32>} : memref<20x512xi32, #tpu.memory_space<vmem>>, vector<16xi32>,
      %add3A_601 = arith.addi %add3A_594, %get3A_600 : vector<16xi32>
      %add3A_602 = arith.addi %add3A_601, %add3A_601 : vector<16xi32>
      %mul3A_603 = arith.constant 16 : i32
      %mul3A_604 = arith.muli %add3A_507, %mul3A_603 : i32
      %get3A_605 = arith.constant 12 : i32
      %get3A_606 = arith.index_cast %get3A_605 : i32 to index
      %get3A_607 = arith.index_cast %mul3A_604 : i32 to index
      %get3A_608 = tpu.vector_load %arg5[%get3A_606, %get3A_607] {strides = array<i32>} : memref<20x512xi32, #tpu.memory_space<vmem>>, vector<16xi32>,
      %add3A_609 = arith.addi %add3A_602, %get3A_608 : vector<16xi32>
      %add3A_610 = arith.addi %add3A_609, %add3A_609 : vector<16xi32>
      %mul3A_611 = arith.constant 16 : i32
      %mul3A_612 = arith.muli %add3A_507, %mul3A_611 : i32
      %get3A_613 = arith.constant 13 : i32
      %get3A_614 = arith.index_cast %get3A_613 : i32 to index
      %get3A_615 = arith.index_cast %mul3A_612 : i32 to index
      %get3A_616 = tpu.vector_load %arg5[%get3A_614, %get3A_615] {strides = array<i32>} : memref<20x512xi32, #tpu.memory_space<vmem>>, vector<16xi32>,
      %add3A_617 = arith.addi %add3A_610, %get3A_616 : vector<16xi32>
      %add3A_618 = arith.addi %add3A_617, %add3A_617 : vector<16xi32>
      %mul3A_619 = arith.constant 16 : i32
      %mul3A_620 = arith.muli %add3A_507, %mul3A_619 : i32
      %get3A_621 = arith.constant 14 : i32
      %get3A_622 = arith.index_cast %get3A_621 : i32 to index
      %get3A_623 = arith.index_cast %mul3A_620 : i32 to index
      %get3A_624 = tpu.vector_load %arg5[%get3A_622, %get3A_623] {strides = array<i32>} : memref<20x512xi32, #tpu.memory_space<vmem>>, vector<16xi32>,
      %add3A_625 = arith.addi %add3A_618, %get3A_624 : vector<16xi32>
      %add3A_626 = arith.addi %add3A_625, %add3A_625 : vector<16xi32>
      %mul3A_627 = arith.constant 16 : i32
      %mul3A_628 = arith.muli %add3A_507, %mul3A_627 : i32
      %get3A_629 = arith.constant 15 : i32
      %get3A_630 = arith.index_cast %get3A_629 : i32 to index
      %get3A_631 = arith.index_cast %mul3A_628 : i32 to index
      %get3A_632 = tpu.vector_load %arg5[%get3A_630, %get3A_631] {strides = array<i32>} : memref<20x512xi32, #tpu.memory_space<vmem>>, vector<16xi32>,
      %add3A_633 = arith.addi %add3A_626, %get3A_632 : vector<16xi32>
      %add3A_634 = arith.addi %add3A_633, %add3A_633 : vector<16xi32>
      %mul3A_635 = arith.constant 16 : i32
      %mul3A_636 = arith.muli %add3A_507, %mul3A_635 : i32
      %get3A_637 = arith.constant 16 : i32
      %get3A_638 = arith.index_cast %get3A_637 : i32 to index
      %get3A_639 = arith.index_cast %mul3A_636 : i32 to index
      %get3A_640 = tpu.vector_load %arg5[%get3A_638, %get3A_639] {strides = array<i32>} : memref<20x512xi32, #tpu.memory_space<vmem>>, vector<16xi32>,
      %add3A_641 = arith.addi %add3A_634, %get3A_640 : vector<16xi32>
      %add3A_642 = arith.addi %add3A_641, %add3A_641 : vector<16xi32>
      %mul3A_643 = arith.constant 16 : i32
      %mul3A_644 = arith.muli %add3A_507, %mul3A_643 : i32
      %get3A_645 = arith.constant 17 : i32
      %get3A_646 = arith.index_cast %get3A_645 : i32 to index
      %get3A_647 = arith.index_cast %mul3A_644 : i32 to index
      %get3A_648 = tpu.vector_load %arg5[%get3A_646, %get3A_647] {strides = array<i32>} : memref<20x512xi32, #tpu.memory_space<vmem>>, vector<16xi32>,
      %add3A_649 = arith.addi %add3A_642, %get3A_648 : vector<16xi32>
      %add3A_650 = arith.addi %add3A_649, %add3A_649 : vector<16xi32>
      %mul3A_651 = arith.constant 16 : i32
      %mul3A_652 = arith.muli %add3A_507, %mul3A_651 : i32
      %get3A_653 = arith.constant 18 : i32
      %get3A_654 = arith.index_cast %get3A_653 : i32 to index
      %get3A_655 = arith.index_cast %mul3A_652 : i32 to index
      %get3A_656 = tpu.vector_load %arg5[%get3A_654, %get3A_655] {strides = array<i32>} : memref<20x512xi32, #tpu.memory_space<vmem>>, vector<16xi32>,
      %add3A_657 = arith.addi %add3A_650, %get3A_656 : vector<16xi32>
      %add3A_658 = arith.addi %add3A_657, %add3A_657 : vector<16xi32>
      %mul3A_659 = arith.constant 16 : i32
      %mul3A_660 = arith.muli %add3A_507, %mul3A_659 : i32
      %get3A_661 = arith.constant 19 : i32
      %get3A_662 = arith.index_cast %get3A_661 : i32 to index
      %get3A_663 = arith.index_cast %mul3A_660 : i32 to index
      %get3A_664 = tpu.vector_load %arg5[%get3A_662, %get3A_663] {strides = array<i32>} : memref<20x512xi32, #tpu.memory_space<vmem>>, vector<16xi32>,
      %add3A_665 = arith.addi %add3A_658, %get3A_664 : vector<16xi32>
      %shift_right_arithmetic3A = arith.constant 7 : i32
      %shift_right_arithmetic3A_666 = vector.broadcast %shift_right_arithmetic3A : i32 to vector<16xi32>
      %shift_right_arithmetic3A_667 = arith.shrsi %add3A_665, %shift_right_arithmetic3A_666 : vector<16xi32>
      %mul3A_668 = arith.constant 1024 : i32
      %mul3A_669 = vector.broadcast %mul3A_668 : i32 to vector<16xi32>
      %mul3A_670 = arith.muli %shift_right_arithmetic3A_667, %mul3A_669 : vector<16xi32>
      %and3A = arith.constant 127 : i32
      %and3A_671 = vector.broadcast %and3A : i32 to vector<16xi32>
      %and3A_672 = arith.andi %add3A_665, %and3A_671 : vector<16xi32>
      %add3A_673 = arith.addi %mul3A_670, %and3A_672 : vector<16xi32>
      %mul3A_674 = arith.constant 16 : i32
      %mul3A_675 = arith.muli %add3A_507, %mul3A_674 : i32
      %swap3A = arith.index_cast %mul3A_675 : i32 to index
      %swap3A_676 = tpu.vector_load %arg6[%swap3A] {strides = array<i32>} : memref<512xi32, #tpu.memory_space<vmem>>, vector<16xi32>,
      tpu.vector_store %arg6[%swap3A], %add3A_673 {strides = array<i32>} : memref<512xi32, #tpu.memory_space<vmem>>, vector<16xi32>,
    }
    %scan3A_100 = arith.constant 8 : i32
    %get3A_101 = arith.constant 384 : index
    %get3A_102 = tpu.vector_load %arg6[%get3A_101] {strides = array<i32>} : memref<512xi32, #tpu.memory_space<vmem>>, vector<16xi32>,
    %get3A_103 = arith.constant 400 : index
    %get3A_104 = tpu.vector_load %arg6[%get3A_103] {strides = array<i32>} : memref<512xi32, #tpu.memory_space<vmem>>, vector<16xi32>,
    %get3A_105 = arith.constant 416 : index
    %get3A_106 = tpu.vector_load %arg6[%get3A_105] {strides = array<i32>} : memref<512xi32, #tpu.memory_space<vmem>>, vector<16xi32>,
    %get3A_107 = arith.constant 432 : index
    %get3A_108 = tpu.vector_load %arg6[%get3A_107] {strides = array<i32>} : memref<512xi32, #tpu.memory_space<vmem>>, vector<16xi32>,
    %get3A_109 = arith.constant 448 : index
    %get3A_110 = tpu.vector_load %arg6[%get3A_109] {strides = array<i32>} : memref<512xi32, #tpu.memory_space<vmem>>, vector<16xi32>,
    %get3A_111 = arith.constant 464 : index
    %get3A_112 = tpu.vector_load %arg6[%get3A_111] {strides = array<i32>} : memref<512xi32, #tpu.memory_space<vmem>>, vector<16xi32>,
    %get3A_113 = arith.constant 480 : index
    %get3A_114 = tpu.vector_load %arg6[%get3A_113] {strides = array<i32>} : memref<512xi32, #tpu.memory_space<vmem>>, vector<16xi32>,
    %get3A_115 = arith.constant 496 : index
    %get3A_116 = tpu.vector_load %arg6[%get3A_115] {strides = array<i32>} : memref<512xi32, #tpu.memory_space<vmem>>, vector<16xi32>,
    %scan3A_117 = arith.constant 0 : i32
    %scan3A_118 = arith.constant 32 : i32
    %scan3A_119 = arith.addi %scan3A_117, %scan3A_118 : i32
    %scan3A_120 = arith.constant 1 : i32
    scf.for %scan3A_503 = %scan3A_117 to %scan3A_119 step %scan3A_120  : i32 {
      %mul3A_504 = arith.constant 1 : i32
      %mul3A_505 = arith.muli %scan3A_503, %mul3A_504 : i32
      %add3A_506 = arith.constant 0 : i32
      %add3A_507 = arith.addi %add3A_506, %mul3A_505 : i32
      %shift_right_arithmetic3A = arith.constant 3 : i32
      %shift_right_arithmetic3A_508 = arith.shrsi %add3A_507, %shift_right_arithmetic3A : i32
      %mul3A_509 = arith.constant 8388608 : i32
      %mul3A_510 = arith.muli %shift_right_arithmetic3A_508, %mul3A_509 : i32
      %and3A = arith.constant 7 : i32
      %and3A_511 = arith.andi %add3A_507, %and3A : i32
      %mul3A_512 = arith.constant 128 : i32
      %mul3A_513 = arith.muli %and3A_511, %mul3A_512 : i32
      %add3A_514 = arith.addi %mul3A_510, %mul3A_513 : i32
      %broadcast_in_dim3A = vector.broadcast %add3A_514 : i32 to vector<16xi32>
      %add3A_515 = arith.constant 96 : i32
      %add3A_516 = arith.addi %add3A_515, %add3A_507 : i32
      %mul3A_517 = arith.constant 128 : i32
      %mul3A_518 = arith.muli %add3A_516, %mul3A_517 : i32
      %add3A_519 = arith.addi %broadcast_in_dim3A, %get3A_102 : vector<16xi32>
      %add3A_520 = arith.constant 0 : i32
      %add3A_521 = arith.addi %mul3A_518, %add3A_520 : i32
      %swap3A = arith.index_cast %add3A_521 : i32 to index
      %swap3A_522 = tpu.vector_load %arg7[%swap3A] {strides = array<i32>} : memref<16384xi32, #tpu.memory_space<vmem>>, vector<16xi32>,
      tpu.vector_store %arg7[%swap3A], %add3A_519 {strides = array<i32>} : memref<16384xi32, #tpu.memory_space<vmem>>, vector<16xi32>,
      %add3A_523 = arith.addi %broadcast_in_dim3A, %get3A_104 : vector<16xi32>
      %add3A_524 = arith.constant 16 : i32
      %add3A_525 = arith.addi %mul3A_518, %add3A_524 : i32
      %swap3A_526 = arith.index_cast %add3A_525 : i32 to index
      %swap3A_527 = tpu.vector_load %arg7[%swap3A_526] {strides = array<i32>} : memref<16384xi32, #tpu.memory_space<vmem>>, vector<16xi32>,
      tpu.vector_store %arg7[%swap3A_526], %add3A_523 {strides = array<i32>} : memref<16384xi32, #tpu.memory_space<vmem>>, vector<16xi32>,
      %add3A_528 = arith.addi %broadcast_in_dim3A, %get3A_106 : vector<16xi32>
      %add3A_529 = arith.constant 32 : i32
      %add3A_530 = arith.addi %mul3A_518, %add3A_529 : i32
      %swap3A_531 = arith.index_cast %add3A_530 : i32 to index
      %swap3A_532 = tpu.vector_load %arg7[%swap3A_531] {strides = array<i32>} : memref<16384xi32, #tpu.memory_space<vmem>>, vector<16xi32>,
      tpu.vector_store %arg7[%swap3A_531], %add3A_528 {strides = array<i32>} : memref<16384xi32, #tpu.memory_space<vmem>>, vector<16xi32>,
      %add3A_533 = arith.addi %broadcast_in_dim3A, %get3A_108 : vector<16xi32>
      %add3A_534 = arith.constant 48 : i32
      %add3A_535 = arith.addi %mul3A_518, %add3A_534 : i32
      %swap3A_536 = arith.index_cast %add3A_535 : i32 to index
      %swap3A_537 = tpu.vector_load %arg7[%swap3A_536] {strides = array<i32>} : memref<16384xi32, #tpu.memory_space<vmem>>, vector<16xi32>,
      tpu.vector_store %arg7[%swap3A_536], %add3A_533 {strides = array<i32>} : memref<16384xi32, #tpu.memory_space<vmem>>, vector<16xi32>,
      %add3A_538 = arith.addi %broadcast_in_dim3A, %get3A_110 : vector<16xi32>
      %add3A_539 = arith.constant 64 : i32
      %add3A_540 = arith.addi %mul3A_518, %add3A_539 : i32
      %swap3A_541 = arith.index_cast %add3A_540 : i32 to index
      %swap3A_542 = tpu.vector_load %arg7[%swap3A_541] {strides = array<i32>} : memref<16384xi32, #tpu.memory_space<vmem>>, vector<16xi32>,
      tpu.vector_store %arg7[%swap3A_541], %add3A_538 {strides = array<i32>} : memref<16384xi32, #tpu.memory_space<vmem>>, vector<16xi32>,
      %add3A_543 = arith.addi %broadcast_in_dim3A, %get3A_112 : vector<16xi32>
      %add3A_544 = arith.constant 80 : i32
      %add3A_545 = arith.addi %mul3A_518, %add3A_544 : i32
      %swap3A_546 = arith.index_cast %add3A_545 : i32 to index
      %swap3A_547 = tpu.vector_load %arg7[%swap3A_546] {strides = array<i32>} : memref<16384xi32, #tpu.memory_space<vmem>>, vector<16xi32>,
      tpu.vector_store %arg7[%swap3A_546], %add3A_543 {strides = array<i32>} : memref<16384xi32, #tpu.memory_space<vmem>>, vector<16xi32>,
      %add3A_548 = arith.addi %broadcast_in_dim3A, %get3A_114 : vector<16xi32>
      %add3A_549 = arith.constant 96 : i32
      %add3A_550 = arith.addi %mul3A_518, %add3A_549 : i32
      %swap3A_551 = arith.index_cast %add3A_550 : i32 to index
      %swap3A_552 = tpu.vector_load %arg7[%swap3A_551] {strides = array<i32>} : memref<16384xi32, #tpu.memory_space<vmem>>, vector<16xi32>,
      tpu.vector_store %arg7[%swap3A_551], %add3A_548 {strides = array<i32>} : memref<16384xi32, #tpu.memory_space<vmem>>, vector<16xi32>,
      %add3A_553 = arith.addi %broadcast_in_dim3A, %get3A_116 : vector<16xi32>
      %add3A_554 = arith.constant 112 : i32
      %add3A_555 = arith.addi %mul3A_518, %add3A_554 : i32
      %swap3A_556 = arith.index_cast %add3A_555 : i32 to index
      %swap3A_557 = tpu.vector_load %arg7[%swap3A_556] {strides = array<i32>} : memref<16384xi32, #tpu.memory_space<vmem>>, vector<16xi32>,
      tpu.vector_store %arg7[%swap3A_556], %add3A_553 {strides = array<i32>} : memref<16384xi32, #tpu.memory_space<vmem>>, vector<16xi32>,
    }
    %scan3A_121 = arith.constant 32 : i32
    %dma_start3A_122 = arith.constant 12288 : i32
    %dma_start3A_123 = tpu.memref_slice %arg8[%dma_start3A_122] : memref<16384xf32, #tpu.memory_space<vmem>> -> memref<4096xf32, #tpu.memory_space<vmem>>
    %dma_start3A_124 = arith.constant 12288 : i32
    %dma_start3A_125 = tpu.memref_slice %arg7[%dma_start3A_124] : memref<16384xi32, #tpu.memory_space<vmem>> -> memref<4096xi32, #tpu.memory_space<vmem>>
    %dma_start3A_126 = arith.constant 0 : i32
    %dma_start3A_127 = tpu.memref_slice %arg3[%dma_start3A_126] : memref<33554432xf32, #tpu.memory_space<hbm>> -> memref<33554432xf32, #tpu.memory_space<hbm>>
    tpu.enqueue_indirect_dma source(%dma_start3A_127 : memref<33554432xf32, #tpu.memory_space<hbm>>) target(%dma_start3A_123 : memref<4096xf32, #tpu.memory_space<vmem>>) offsets(%dma_start3A_125 : memref<4096xi32, #tpu.memory_space<vmem>>) semaphore(%arg13 : memref<!tpu.dma_semaphore, #tpu.memory_space<semaphore_mem>>)
    %dma_wait3A = arith.constant 0 : i32
    %dma_wait3A_128 = tpu.memref_slice %arg8[%dma_wait3A] : memref<16384xf32, #tpu.memory_space<vmem>> -> memref<4096xf32, #tpu.memory_space<vmem>>
    %dma_wait3A_129 = arith.constant 0 : i32
    %dma_wait3A_130 = tpu.memref_slice %arg7[%dma_wait3A_129] : memref<16384xi32, #tpu.memory_space<vmem>> -> memref<4096xi32, #tpu.memory_space<vmem>>
    %dma_wait3A_131 = arith.constant 0 : i32
    %dma_wait3A_132 = tpu.memref_slice %arg3[%dma_wait3A_131] : memref<33554432xf32, #tpu.memory_space<hbm>> -> memref<33554432xf32, #tpu.memory_space<hbm>>
    tpu.wait_indirect_dma semaphore(%arg10 : memref<!tpu.dma_semaphore, #tpu.memory_space<semaphore_mem>>) src(%dma_wait3A_132 : memref<33554432xf32, #tpu.memory_space<hbm>>) dst(%dma_wait3A_128 : memref<4096xf32, #tpu.memory_space<vmem>>)
    %mul3A_133 = arith.constant 4 : i32
    %mul3A_134 = arith.muli %add3A, %mul3A_133 : i32
    %add3A_135 = arith.constant 0 : i32
    %add3A_136 = arith.addi %add3A_135, %mul3A_134 : i32
    %add3A_137 = arith.constant 0 : i32
    %add3A_138 = arith.addi %add3A_136, %add3A_137 : i32
    %mul3A_139 = arith.constant 8 : i32
    %mul3A_140 = arith.muli %add3A_138, %mul3A_139 : i32
    %mul3A_141 = arith.constant 128 : i32
    %mul3A_142 = arith.muli %mul3A_140, %mul3A_141 : i32
    %dma_start3A_143 = arith.constant 0 : i32
    %dma_start3A_144 = tpu.memref_slice %arg8[%dma_start3A_143] : memref<16384xf32, #tpu.memory_space<vmem>> -> memref<1024xf32, #tpu.memory_space<vmem>>
    %dma_start3A_145 = tpu.memref_slice %arg4[%mul3A_142] : memref<524288xf32, #tpu.memory_space<hbm>> -> memref<1024xf32, #tpu.memory_space<hbm>>
    %dma_start3A_146 = tpu.memref_slice %arg4[%mul3A_142] : memref<524288xf32, #tpu.memory_space<hbm>> -> memref<1024xf32, #tpu.memory_space<hbm>>
    %dma_start3A_147 = arith.constant 0 : i32
    %dma_start3A_148 = tpu.memref_slice %arg8[%dma_start3A_147] : memref<16384xf32, #tpu.memory_space<vmem>> -> memref<1024xf32, #tpu.memory_space<vmem>>
    tpu.enqueue_dma source(%dma_start3A_148 : memref<1024xf32, #tpu.memory_space<vmem>>) target(%dma_start3A_146 : memref<1024xf32, #tpu.memory_space<hbm>>) target_semaphore(%arg9 : memref<!tpu.dma_semaphore, #tpu.memory_space<semaphore_mem>>)
    %mul3A_149 = arith.constant 4 : i32
    %mul3A_150 = arith.muli %add3A, %mul3A_149 : i32
    %add3A_151 = arith.constant 128 : i32
    %add3A_152 = arith.addi %add3A_151, %mul3A_150 : i32
    %add3A_153 = arith.constant 0 : i32
    %add3A_154 = arith.addi %add3A_152, %add3A_153 : i32
    %mul3A_155 = arith.constant 8 : i32
    %mul3A_156 = arith.muli %add3A_154, %mul3A_155 : i32
    %mul3A_157 = arith.constant 128 : i32
    %mul3A_158 = arith.muli %mul3A_156, %mul3A_157 : i32
    %dma_start3A_159 = arith.constant 1024 : i32
    %dma_start3A_160 = tpu.memref_slice %arg8[%dma_start3A_159] : memref<16384xf32, #tpu.memory_space<vmem>> -> memref<1024xf32, #tpu.memory_space<vmem>>
    %dma_start3A_161 = tpu.memref_slice %arg4[%mul3A_158] : memref<524288xf32, #tpu.memory_space<hbm>> -> memref<1024xf32, #tpu.memory_space<hbm>>
    %dma_start3A_162 = tpu.memref_slice %arg4[%mul3A_158] : memref<524288xf32, #tpu.memory_space<hbm>> -> memref<1024xf32, #tpu.memory_space<hbm>>
    %dma_start3A_163 = arith.constant 1024 : i32
    %dma_start3A_164 = tpu.memref_slice %arg8[%dma_start3A_163] : memref<16384xf32, #tpu.memory_space<vmem>> -> memref<1024xf32, #tpu.memory_space<vmem>>
    tpu.enqueue_dma source(%dma_start3A_164 : memref<1024xf32, #tpu.memory_space<vmem>>) target(%dma_start3A_162 : memref<1024xf32, #tpu.memory_space<hbm>>) target_semaphore(%arg9 : memref<!tpu.dma_semaphore, #tpu.memory_space<semaphore_mem>>)
    %mul3A_165 = arith.constant 4 : i32
    %mul3A_166 = arith.muli %add3A, %mul3A_165 : i32
    %add3A_167 = arith.constant 256 : i32
    %add3A_168 = arith.addi %add3A_167, %mul3A_166 : i32
    %add3A_169 = arith.constant 0 : i32
    %add3A_170 = arith.addi %add3A_168, %add3A_169 : i32
    %mul3A_171 = arith.constant 8 : i32
    %mul3A_172 = arith.muli %add3A_170, %mul3A_171 : i32
    %mul3A_173 = arith.constant 128 : i32
    %mul3A_174 = arith.muli %mul3A_172, %mul3A_173 : i32
    %dma_start3A_175 = arith.constant 2048 : i32
    %dma_start3A_176 = tpu.memref_slice %arg8[%dma_start3A_175] : memref<16384xf32, #tpu.memory_space<vmem>> -> memref<1024xf32, #tpu.memory_space<vmem>>
    %dma_start3A_177 = tpu.memref_slice %arg4[%mul3A_174] : memref<524288xf32, #tpu.memory_space<hbm>> -> memref<1024xf32, #tpu.memory_space<hbm>>
    %dma_start3A_178 = tpu.memref_slice %arg4[%mul3A_174] : memref<524288xf32, #tpu.memory_space<hbm>> -> memref<1024xf32, #tpu.memory_space<hbm>>
    %dma_start3A_179 = arith.constant 2048 : i32
    %dma_start3A_180 = tpu.memref_slice %arg8[%dma_start3A_179] : memref<16384xf32, #tpu.memory_space<vmem>> -> memref<1024xf32, #tpu.memory_space<vmem>>
    tpu.enqueue_dma source(%dma_start3A_180 : memref<1024xf32, #tpu.memory_space<vmem>>) target(%dma_start3A_178 : memref<1024xf32, #tpu.memory_space<hbm>>) target_semaphore(%arg9 : memref<!tpu.dma_semaphore, #tpu.memory_space<semaphore_mem>>)
    %mul3A_181 = arith.constant 4 : i32
    %mul3A_182 = arith.muli %add3A, %mul3A_181 : i32
    %add3A_183 = arith.constant 384 : i32
    %add3A_184 = arith.addi %add3A_183, %mul3A_182 : i32
    %add3A_185 = arith.constant 0 : i32
    %add3A_186 = arith.addi %add3A_184, %add3A_185 : i32
    %mul3A_187 = arith.constant 8 : i32
    %mul3A_188 = arith.muli %add3A_186, %mul3A_187 : i32
    %mul3A_189 = arith.constant 128 : i32
    %mul3A_190 = arith.muli %mul3A_188, %mul3A_189 : i32
    %dma_start3A_191 = arith.constant 3072 : i32
    %dma_start3A_192 = tpu.memref_slice %arg8[%dma_start3A_191] : memref<16384xf32, #tpu.memory_space<vmem>> -> memref<1024xf32, #tpu.memory_space<vmem>>
    %dma_start3A_193 = tpu.memref_slice %arg4[%mul3A_190] : memref<524288xf32, #tpu.memory_space<hbm>> -> memref<1024xf32, #tpu.memory_space<hbm>>
    %dma_start3A_194 = tpu.memref_slice %arg4[%mul3A_190] : memref<524288xf32, #tpu.memory_space<hbm>> -> memref<1024xf32, #tpu.memory_space<hbm>>
    %dma_start3A_195 = arith.constant 3072 : i32
    %dma_start3A_196 = tpu.memref_slice %arg8[%dma_start3A_195] : memref<16384xf32, #tpu.memory_space<vmem>> -> memref<1024xf32, #tpu.memory_space<vmem>>
    tpu.enqueue_dma source(%dma_start3A_196 : memref<1024xf32, #tpu.memory_space<vmem>>) target(%dma_start3A_194 : memref<1024xf32, #tpu.memory_space<hbm>>) target_semaphore(%arg9 : memref<!tpu.dma_semaphore, #tpu.memory_space<semaphore_mem>>)
    %dma_wait3A_197 = arith.constant 4096 : i32
    %dma_wait3A_198 = tpu.memref_slice %arg8[%dma_wait3A_197] : memref<16384xf32, #tpu.memory_space<vmem>> -> memref<4096xf32, #tpu.memory_space<vmem>>
    %dma_wait3A_199 = arith.constant 4096 : i32
    %dma_wait3A_200 = tpu.memref_slice %arg7[%dma_wait3A_199] : memref<16384xi32, #tpu.memory_space<vmem>> -> memref<4096xi32, #tpu.memory_space<vmem>>
    %dma_wait3A_201 = arith.constant 0 : i32
    %dma_wait3A_202 = tpu.memref_slice %arg3[%dma_wait3A_201] : memref<33554432xf32, #tpu.memory_space<hbm>> -> memref<33554432xf32, #tpu.memory_space<hbm>>
    tpu.wait_indirect_dma semaphore(%arg11 : memref<!tpu.dma_semaphore, #tpu.memory_space<semaphore_mem>>) src(%dma_wait3A_202 : memref<33554432xf32, #tpu.memory_space<hbm>>) dst(%dma_wait3A_198 : memref<4096xf32, #tpu.memory_space<vmem>>)
    %mul3A_203 = arith.constant 4 : i32
    %mul3A_204 = arith.muli %add3A, %mul3A_203 : i32
    %add3A_205 = arith.constant 0 : i32
    %add3A_206 = arith.addi %add3A_205, %mul3A_204 : i32
    %add3A_207 = arith.constant 1 : i32
    %add3A_208 = arith.addi %add3A_206, %add3A_207 : i32
    %mul3A_209 = arith.constant 8 : i32
    %mul3A_210 = arith.muli %add3A_208, %mul3A_209 : i32
    %mul3A_211 = arith.constant 128 : i32
    %mul3A_212 = arith.muli %mul3A_210, %mul3A_211 : i32
    %dma_start3A_213 = arith.constant 4096 : i32
    %dma_start3A_214 = tpu.memref_slice %arg8[%dma_start3A_213] : memref<16384xf32, #tpu.memory_space<vmem>> -> memref<1024xf32, #tpu.memory_space<vmem>>
    %dma_start3A_215 = tpu.memref_slice %arg4[%mul3A_212] : memref<524288xf32, #tpu.memory_space<hbm>> -> memref<1024xf32, #tpu.memory_space<hbm>>
    %dma_start3A_216 = tpu.memref_slice %arg4[%mul3A_212] : memref<524288xf32, #tpu.memory_space<hbm>> -> memref<1024xf32, #tpu.memory_space<hbm>>
    %dma_start3A_217 = arith.constant 4096 : i32
    %dma_start3A_218 = tpu.memref_slice %arg8[%dma_start3A_217] : memref<16384xf32, #tpu.memory_space<vmem>> -> memref<1024xf32, #tpu.memory_space<vmem>>
    tpu.enqueue_dma source(%dma_start3A_218 : memref<1024xf32, #tpu.memory_space<vmem>>) target(%dma_start3A_216 : memref<1024xf32, #tpu.memory_space<hbm>>) target_semaphore(%arg9 : memref<!tpu.dma_semaphore, #tpu.memory_space<semaphore_mem>>)
    %mul3A_219 = arith.constant 4 : i32
    %mul3A_220 = arith.muli %add3A, %mul3A_219 : i32
    %add3A_221 = arith.constant 128 : i32
    %add3A_222 = arith.addi %add3A_221, %mul3A_220 : i32
    %add3A_223 = arith.constant 1 : i32
    %add3A_224 = arith.addi %add3A_222, %add3A_223 : i32
    %mul3A_225 = arith.constant 8 : i32
    %mul3A_226 = arith.muli %add3A_224, %mul3A_225 : i32
    %mul3A_227 = arith.constant 128 : i32
    %mul3A_228 = arith.muli %mul3A_226, %mul3A_227 : i32
    %dma_start3A_229 = arith.constant 5120 : i32
    %dma_start3A_230 = tpu.memref_slice %arg8[%dma_start3A_229] : memref<16384xf32, #tpu.memory_space<vmem>> -> memref<1024xf32, #tpu.memory_space<vmem>>
    %dma_start3A_231 = tpu.memref_slice %arg4[%mul3A_228] : memref<524288xf32, #tpu.memory_space<hbm>> -> memref<1024xf32, #tpu.memory_space<hbm>>
    %dma_start3A_232 = tpu.memref_slice %arg4[%mul3A_228] : memref<524288xf32, #tpu.memory_space<hbm>> -> memref<1024xf32, #tpu.memory_space<hbm>>
    %dma_start3A_233 = arith.constant 5120 : i32
    %dma_start3A_234 = tpu.memref_slice %arg8[%dma_start3A_233] : memref<16384xf32, #tpu.memory_space<vmem>> -> memref<1024xf32, #tpu.memory_space<vmem>>
    tpu.enqueue_dma source(%dma_start3A_234 : memref<1024xf32, #tpu.memory_space<vmem>>) target(%dma_start3A_232 : memref<1024xf32, #tpu.memory_space<hbm>>) target_semaphore(%arg9 : memref<!tpu.dma_semaphore, #tpu.memory_space<semaphore_mem>>)
    %mul3A_235 = arith.constant 4 : i32
    %mul3A_236 = arith.muli %add3A, %mul3A_235 : i32
    %add3A_237 = arith.constant 256 : i32
    %add3A_238 = arith.addi %add3A_237, %mul3A_236 : i32
    %add3A_239 = arith.constant 1 : i32
    %add3A_240 = arith.addi %add3A_238, %add3A_239 : i32
    %mul3A_241 = arith.constant 8 : i32
    %mul3A_242 = arith.muli %add3A_240, %mul3A_241 : i32
    %mul3A_243 = arith.constant 128 : i32
    %mul3A_244 = arith.muli %mul3A_242, %mul3A_243 : i32
    %dma_start3A_245 = arith.constant 6144 : i32
    %dma_start3A_246 = tpu.memref_slice %arg8[%dma_start3A_245] : memref<16384xf32, #tpu.memory_space<vmem>> -> memref<1024xf32, #tpu.memory_space<vmem>>
    %dma_start3A_247 = tpu.memref_slice %arg4[%mul3A_244] : memref<524288xf32, #tpu.memory_space<hbm>> -> memref<1024xf32, #tpu.memory_space<hbm>>
    %dma_start3A_248 = tpu.memref_slice %arg4[%mul3A_244] : memref<524288xf32, #tpu.memory_space<hbm>> -> memref<1024xf32, #tpu.memory_space<hbm>>
    %dma_start3A_249 = arith.constant 6144 : i32
    %dma_start3A_250 = tpu.memref_slice %arg8[%dma_start3A_249] : memref<16384xf32, #tpu.memory_space<vmem>> -> memref<1024xf32, #tpu.memory_space<vmem>>
    tpu.enqueue_dma source(%dma_start3A_250 : memref<1024xf32, #tpu.memory_space<vmem>>) target(%dma_start3A_248 : memref<1024xf32, #tpu.memory_space<hbm>>) target_semaphore(%arg9 : memref<!tpu.dma_semaphore, #tpu.memory_space<semaphore_mem>>)
    %mul3A_251 = arith.constant 4 : i32
    %mul3A_252 = arith.muli %add3A, %mul3A_251 : i32
    %add3A_253 = arith.constant 384 : i32
    %add3A_254 = arith.addi %add3A_253, %mul3A_252 : i32
    %add3A_255 = arith.constant 1 : i32
    %add3A_256 = arith.addi %add3A_254, %add3A_255 : i32
    %mul3A_257 = arith.constant 8 : i32
    %mul3A_258 = arith.muli %add3A_256, %mul3A_257 : i32
    %mul3A_259 = arith.constant 128 : i32
    %mul3A_260 = arith.muli %mul3A_258, %mul3A_259 : i32
    %dma_start3A_261 = arith.constant 7168 : i32
    %dma_start3A_262 = tpu.memref_slice %arg8[%dma_start3A_261] : memref<16384xf32, #tpu.memory_space<vmem>> -> memref<1024xf32, #tpu.memory_space<vmem>>
    %dma_start3A_263 = tpu.memref_slice %arg4[%mul3A_260] : memref<524288xf32, #tpu.memory_space<hbm>> -> memref<1024xf32, #tpu.memory_space<hbm>>
    %dma_start3A_264 = tpu.memref_slice %arg4[%mul3A_260] : memref<524288xf32, #tpu.memory_space<hbm>> -> memref<1024xf32, #tpu.memory_space<hbm>>
    %dma_start3A_265 = arith.constant 7168 : i32
    %dma_start3A_266 = tpu.memref_slice %arg8[%dma_start3A_265] : memref<16384xf32, #tpu.memory_space<vmem>> -> memref<1024xf32, #tpu.memory_space<vmem>>
    tpu.enqueue_dma source(%dma_start3A_266 : memref<1024xf32, #tpu.memory_space<vmem>>) target(%dma_start3A_264 : memref<1024xf32, #tpu.memory_space<hbm>>) target_semaphore(%arg9 : memref<!tpu.dma_semaphore, #tpu.memory_space<semaphore_mem>>)
    %dma_wait3A_267 = arith.constant 8192 : i32
    %dma_wait3A_268 = tpu.memref_slice %arg8[%dma_wait3A_267] : memref<16384xf32, #tpu.memory_space<vmem>> -> memref<4096xf32, #tpu.memory_space<vmem>>
    %dma_wait3A_269 = arith.constant 8192 : i32
    %dma_wait3A_270 = tpu.memref_slice %arg7[%dma_wait3A_269] : memref<16384xi32, #tpu.memory_space<vmem>> -> memref<4096xi32, #tpu.memory_space<vmem>>
    %dma_wait3A_271 = arith.constant 0 : i32
    %dma_wait3A_272 = tpu.memref_slice %arg3[%dma_wait3A_271] : memref<33554432xf32, #tpu.memory_space<hbm>> -> memref<33554432xf32, #tpu.memory_space<hbm>>
    tpu.wait_indirect_dma semaphore(%arg12 : memref<!tpu.dma_semaphore, #tpu.memory_space<semaphore_mem>>) src(%dma_wait3A_272 : memref<33554432xf32, #tpu.memory_space<hbm>>) dst(%dma_wait3A_268 : memref<4096xf32, #tpu.memory_space<vmem>>)
    %mul3A_273 = arith.constant 4 : i32
    %mul3A_274 = arith.muli %add3A, %mul3A_273 : i32
    %add3A_275 = arith.constant 0 : i32
    %add3A_276 = arith.addi %add3A_275, %mul3A_274 : i32
    %add3A_277 = arith.constant 2 : i32
    %add3A_278 = arith.addi %add3A_276, %add3A_277 : i32
    %mul3A_279 = arith.constant 8 : i32
    %mul3A_280 = arith.muli %add3A_278, %mul3A_279 : i32
    %mul3A_281 = arith.constant 128 : i32
    %mul3A_282 = arith.muli %mul3A_280, %mul3A_281 : i32
    %dma_start3A_283 = arith.constant 8192 : i32
    %dma_start3A_284 = tpu.memref_slice %arg8[%dma_start3A_283] : memref<16384xf32, #tpu.memory_space<vmem>> -> memref<1024xf32, #tpu.memory_space<vmem>>
    %dma_start3A_285 = tpu.memref_slice %arg4[%mul3A_282] : memref<524288xf32, #tpu.memory_space<hbm>> -> memref<1024xf32, #tpu.memory_space<hbm>>
    %dma_start3A_286 = tpu.memref_slice %arg4[%mul3A_282] : memref<524288xf32, #tpu.memory_space<hbm>> -> memref<1024xf32, #tpu.memory_space<hbm>>
    %dma_start3A_287 = arith.constant 8192 : i32
    %dma_start3A_288 = tpu.memref_slice %arg8[%dma_start3A_287] : memref<16384xf32, #tpu.memory_space<vmem>> -> memref<1024xf32, #tpu.memory_space<vmem>>
    tpu.enqueue_dma source(%dma_start3A_288 : memref<1024xf32, #tpu.memory_space<vmem>>) target(%dma_start3A_286 : memref<1024xf32, #tpu.memory_space<hbm>>) target_semaphore(%arg9 : memref<!tpu.dma_semaphore, #tpu.memory_space<semaphore_mem>>)
    %mul3A_289 = arith.constant 4 : i32
    %mul3A_290 = arith.muli %add3A, %mul3A_289 : i32
    %add3A_291 = arith.constant 128 : i32
    %add3A_292 = arith.addi %add3A_291, %mul3A_290 : i32
    %add3A_293 = arith.constant 2 : i32
    %add3A_294 = arith.addi %add3A_292, %add3A_293 : i32
    %mul3A_295 = arith.constant 8 : i32
    %mul3A_296 = arith.muli %add3A_294, %mul3A_295 : i32
    %mul3A_297 = arith.constant 128 : i32
    %mul3A_298 = arith.muli %mul3A_296, %mul3A_297 : i32
    %dma_start3A_299 = arith.constant 9216 : i32
    %dma_start3A_300 = tpu.memref_slice %arg8[%dma_start3A_299] : memref<16384xf32, #tpu.memory_space<vmem>> -> memref<1024xf32, #tpu.memory_space<vmem>>
    %dma_start3A_301 = tpu.memref_slice %arg4[%mul3A_298] : memref<524288xf32, #tpu.memory_space<hbm>> -> memref<1024xf32, #tpu.memory_space<hbm>>
    %dma_start3A_302 = tpu.memref_slice %arg4[%mul3A_298] : memref<524288xf32, #tpu.memory_space<hbm>> -> memref<1024xf32, #tpu.memory_space<hbm>>
    %dma_start3A_303 = arith.constant 9216 : i32
    %dma_start3A_304 = tpu.memref_slice %arg8[%dma_start3A_303] : memref<16384xf32, #tpu.memory_space<vmem>> -> memref<1024xf32, #tpu.memory_space<vmem>>
    tpu.enqueue_dma source(%dma_start3A_304 : memref<1024xf32, #tpu.memory_space<vmem>>) target(%dma_start3A_302 : memref<1024xf32, #tpu.memory_space<hbm>>) target_semaphore(%arg9 : memref<!tpu.dma_semaphore, #tpu.memory_space<semaphore_mem>>)
    %mul3A_305 = arith.constant 4 : i32
    %mul3A_306 = arith.muli %add3A, %mul3A_305 : i32
    %add3A_307 = arith.constant 256 : i32
    %add3A_308 = arith.addi %add3A_307, %mul3A_306 : i32
    %add3A_309 = arith.constant 2 : i32
    %add3A_310 = arith.addi %add3A_308, %add3A_309 : i32
    %mul3A_311 = arith.constant 8 : i32
    %mul3A_312 = arith.muli %add3A_310, %mul3A_311 : i32
    %mul3A_313 = arith.constant 128 : i32
    %mul3A_314 = arith.muli %mul3A_312, %mul3A_313 : i32
    %dma_start3A_315 = arith.constant 10240 : i32
    %dma_start3A_316 = tpu.memref_slice %arg8[%dma_start3A_315] : memref<16384xf32, #tpu.memory_space<vmem>> -> memref<1024xf32, #tpu.memory_space<vmem>>
    %dma_start3A_317 = tpu.memref_slice %arg4[%mul3A_314] : memref<524288xf32, #tpu.memory_space<hbm>> -> memref<1024xf32, #tpu.memory_space<hbm>>
    %dma_start3A_318 = tpu.memref_slice %arg4[%mul3A_314] : memref<524288xf32, #tpu.memory_space<hbm>> -> memref<1024xf32, #tpu.memory_space<hbm>>
    %dma_start3A_319 = arith.constant 10240 : i32
    %dma_start3A_320 = tpu.memref_slice %arg8[%dma_start3A_319] : memref<16384xf32, #tpu.memory_space<vmem>> -> memref<1024xf32, #tpu.memory_space<vmem>>
    tpu.enqueue_dma source(%dma_start3A_320 : memref<1024xf32, #tpu.memory_space<vmem>>) target(%dma_start3A_318 : memref<1024xf32, #tpu.memory_space<hbm>>) target_semaphore(%arg9 : memref<!tpu.dma_semaphore, #tpu.memory_space<semaphore_mem>>)
    %mul3A_321 = arith.constant 4 : i32
    %mul3A_322 = arith.muli %add3A, %mul3A_321 : i32
    %add3A_323 = arith.constant 384 : i32
    %add3A_324 = arith.addi %add3A_323, %mul3A_322 : i32
    %add3A_325 = arith.constant 2 : i32
    %add3A_326 = arith.addi %add3A_324, %add3A_325 : i32
    %mul3A_327 = arith.constant 8 : i32
    %mul3A_328 = arith.muli %add3A_326, %mul3A_327 : i32
    %mul3A_329 = arith.constant 128 : i32
    %mul3A_330 = arith.muli %mul3A_328, %mul3A_329 : i32
    %dma_start3A_331 = arith.constant 11264 : i32
    %dma_start3A_332 = tpu.memref_slice %arg8[%dma_start3A_331] : memref<16384xf32, #tpu.memory_space<vmem>> -> memref<1024xf32, #tpu.memory_space<vmem>>
    %dma_start3A_333 = tpu.memref_slice %arg4[%mul3A_330] : memref<524288xf32, #tpu.memory_space<hbm>> -> memref<1024xf32, #tpu.memory_space<hbm>>
    %dma_start3A_334 = tpu.memref_slice %arg4[%mul3A_330] : memref<524288xf32, #tpu.memory_space<hbm>> -> memref<1024xf32, #tpu.memory_space<hbm>>
    %dma_start3A_335 = arith.constant 11264 : i32
    %dma_start3A_336 = tpu.memref_slice %arg8[%dma_start3A_335] : memref<16384xf32, #tpu.memory_space<vmem>> -> memref<1024xf32, #tpu.memory_space<vmem>>
    tpu.enqueue_dma source(%dma_start3A_336 : memref<1024xf32, #tpu.memory_space<vmem>>) target(%dma_start3A_334 : memref<1024xf32, #tpu.memory_space<hbm>>) target_semaphore(%arg9 : memref<!tpu.dma_semaphore, #tpu.memory_space<semaphore_mem>>)
    %dma_wait3A_337 = arith.constant 12288 : i32
    %dma_wait3A_338 = tpu.memref_slice %arg8[%dma_wait3A_337] : memref<16384xf32, #tpu.memory_space<vmem>> -> memref<4096xf32, #tpu.memory_space<vmem>>
    %dma_wait3A_339 = arith.constant 12288 : i32
    %dma_wait3A_340 = tpu.memref_slice %arg7[%dma_wait3A_339] : memref<16384xi32, #tpu.memory_space<vmem>> -> memref<4096xi32, #tpu.memory_space<vmem>>
    %dma_wait3A_341 = arith.constant 0 : i32
    %dma_wait3A_342 = tpu.memref_slice %arg3[%dma_wait3A_341] : memref<33554432xf32, #tpu.memory_space<hbm>> -> memref<33554432xf32, #tpu.memory_space<hbm>>
    tpu.wait_indirect_dma semaphore(%arg13 : memref<!tpu.dma_semaphore, #tpu.memory_space<semaphore_mem>>) src(%dma_wait3A_342 : memref<33554432xf32, #tpu.memory_space<hbm>>) dst(%dma_wait3A_338 : memref<4096xf32, #tpu.memory_space<vmem>>)
    %mul3A_343 = arith.constant 4 : i32
    %mul3A_344 = arith.muli %add3A, %mul3A_343 : i32
    %add3A_345 = arith.constant 0 : i32
    %add3A_346 = arith.addi %add3A_345, %mul3A_344 : i32
    %add3A_347 = arith.constant 3 : i32
    %add3A_348 = arith.addi %add3A_346, %add3A_347 : i32
    %mul3A_349 = arith.constant 8 : i32
    %mul3A_350 = arith.muli %add3A_348, %mul3A_349 : i32
    %mul3A_351 = arith.constant 128 : i32
    %mul3A_352 = arith.muli %mul3A_350, %mul3A_351 : i32
    %dma_start3A_353 = arith.constant 12288 : i32
    %dma_start3A_354 = tpu.memref_slice %arg8[%dma_start3A_353] : memref<16384xf32, #tpu.memory_space<vmem>> -> memref<1024xf32, #tpu.memory_space<vmem>>
    %dma_start3A_355 = tpu.memref_slice %arg4[%mul3A_352] : memref<524288xf32, #tpu.memory_space<hbm>> -> memref<1024xf32, #tpu.memory_space<hbm>>
    %dma_start3A_356 = tpu.memref_slice %arg4[%mul3A_352] : memref<524288xf32, #tpu.memory_space<hbm>> -> memref<1024xf32, #tpu.memory_space<hbm>>
    %dma_start3A_357 = arith.constant 12288 : i32
    %dma_start3A_358 = tpu.memref_slice %arg8[%dma_start3A_357] : memref<16384xf32, #tpu.memory_space<vmem>> -> memref<1024xf32, #tpu.memory_space<vmem>>
    tpu.enqueue_dma source(%dma_start3A_358 : memref<1024xf32, #tpu.memory_space<vmem>>) target(%dma_start3A_356 : memref<1024xf32, #tpu.memory_space<hbm>>) target_semaphore(%arg9 : memref<!tpu.dma_semaphore, #tpu.memory_space<semaphore_mem>>)
    %mul3A_359 = arith.constant 4 : i32
    %mul3A_360 = arith.muli %add3A, %mul3A_359 : i32
    %add3A_361 = arith.constant 128 : i32
    %add3A_362 = arith.addi %add3A_361, %mul3A_360 : i32
    %add3A_363 = arith.constant 3 : i32
    %add3A_364 = arith.addi %add3A_362, %add3A_363 : i32
    %mul3A_365 = arith.constant 8 : i32
    %mul3A_366 = arith.muli %add3A_364, %mul3A_365 : i32
    %mul3A_367 = arith.constant 128 : i32
    %mul3A_368 = arith.muli %mul3A_366, %mul3A_367 : i32
    %dma_start3A_369 = arith.constant 13312 : i32
    %dma_start3A_370 = tpu.memref_slice %arg8[%dma_start3A_369] : memref<16384xf32, #tpu.memory_space<vmem>> -> memref<1024xf32, #tpu.memory_space<vmem>>
    %dma_start3A_371 = tpu.memref_slice %arg4[%mul3A_368] : memref<524288xf32, #tpu.memory_space<hbm>> -> memref<1024xf32, #tpu.memory_space<hbm>>
    %dma_start3A_372 = tpu.memref_slice %arg4[%mul3A_368] : memref<524288xf32, #tpu.memory_space<hbm>> -> memref<1024xf32, #tpu.memory_space<hbm>>
    %dma_start3A_373 = arith.constant 13312 : i32
    %dma_start3A_374 = tpu.memref_slice %arg8[%dma_start3A_373] : memref<16384xf32, #tpu.memory_space<vmem>> -> memref<1024xf32, #tpu.memory_space<vmem>>
    tpu.enqueue_dma source(%dma_start3A_374 : memref<1024xf32, #tpu.memory_space<vmem>>) target(%dma_start3A_372 : memref<1024xf32, #tpu.memory_space<hbm>>) target_semaphore(%arg9 : memref<!tpu.dma_semaphore, #tpu.memory_space<semaphore_mem>>)
    %mul3A_375 = arith.constant 4 : i32
    %mul3A_376 = arith.muli %add3A, %mul3A_375 : i32
    %add3A_377 = arith.constant 256 : i32
    %add3A_378 = arith.addi %add3A_377, %mul3A_376 : i32
    %add3A_379 = arith.constant 3 : i32
    %add3A_380 = arith.addi %add3A_378, %add3A_379 : i32
    %mul3A_381 = arith.constant 8 : i32
    %mul3A_382 = arith.muli %add3A_380, %mul3A_381 : i32
    %mul3A_383 = arith.constant 128 : i32
    %mul3A_384 = arith.muli %mul3A_382, %mul3A_383 : i32
    %dma_start3A_385 = arith.constant 14336 : i32
    %dma_start3A_386 = tpu.memref_slice %arg8[%dma_start3A_385] : memref<16384xf32, #tpu.memory_space<vmem>> -> memref<1024xf32, #tpu.memory_space<vmem>>
    %dma_start3A_387 = tpu.memref_slice %arg4[%mul3A_384] : memref<524288xf32, #tpu.memory_space<hbm>> -> memref<1024xf32, #tpu.memory_space<hbm>>
    %dma_start3A_388 = tpu.memref_slice %arg4[%mul3A_384] : memref<524288xf32, #tpu.memory_space<hbm>> -> memref<1024xf32, #tpu.memory_space<hbm>>
    %dma_start3A_389 = arith.constant 14336 : i32
    %dma_start3A_390 = tpu.memref_slice %arg8[%dma_start3A_389] : memref<16384xf32, #tpu.memory_space<vmem>> -> memref<1024xf32, #tpu.memory_space<vmem>>
    tpu.enqueue_dma source(%dma_start3A_390 : memref<1024xf32, #tpu.memory_space<vmem>>) target(%dma_start3A_388 : memref<1024xf32, #tpu.memory_space<hbm>>) target_semaphore(%arg9 : memref<!tpu.dma_semaphore, #tpu.memory_space<semaphore_mem>>)
    %mul3A_391 = arith.constant 4 : i32
    %mul3A_392 = arith.muli %add3A, %mul3A_391 : i32
    %add3A_393 = arith.constant 384 : i32
    %add3A_394 = arith.addi %add3A_393, %mul3A_392 : i32
    %add3A_395 = arith.constant 3 : i32
    %add3A_396 = arith.addi %add3A_394, %add3A_395 : i32
    %mul3A_397 = arith.constant 8 : i32
    %mul3A_398 = arith.muli %add3A_396, %mul3A_397 : i32
    %mul3A_399 = arith.constant 128 : i32
    %mul3A_400 = arith.muli %mul3A_398, %mul3A_399 : i32
    %dma_start3A_401 = arith.constant 15360 : i32
    %dma_start3A_402 = tpu.memref_slice %arg8[%dma_start3A_401] : memref<16384xf32, #tpu.memory_space<vmem>> -> memref<1024xf32, #tpu.memory_space<vmem>>
    %dma_start3A_403 = tpu.memref_slice %arg4[%mul3A_400] : memref<524288xf32, #tpu.memory_space<hbm>> -> memref<1024xf32, #tpu.memory_space<hbm>>
    %dma_start3A_404 = tpu.memref_slice %arg4[%mul3A_400] : memref<524288xf32, #tpu.memory_space<hbm>> -> memref<1024xf32, #tpu.memory_space<hbm>>
    %dma_start3A_405 = arith.constant 15360 : i32
    %dma_start3A_406 = tpu.memref_slice %arg8[%dma_start3A_405] : memref<16384xf32, #tpu.memory_space<vmem>> -> memref<1024xf32, #tpu.memory_space<vmem>>
    tpu.enqueue_dma source(%dma_start3A_406 : memref<1024xf32, #tpu.memory_space<vmem>>) target(%dma_start3A_404 : memref<1024xf32, #tpu.memory_space<hbm>>) target_semaphore(%arg9 : memref<!tpu.dma_semaphore, #tpu.memory_space<semaphore_mem>>)
    %dma_wait3A_407 = arith.constant 0 : i32
    %dma_wait3A_408 = tpu.memref_slice %arg8[%dma_wait3A_407] : memref<16384xf32, #tpu.memory_space<vmem>> -> memref<1024xf32, #tpu.memory_space<vmem>>
    %dma_wait3A_409 = tpu.memref_slice %arg4[%mul3A_142] : memref<524288xf32, #tpu.memory_space<hbm>> -> memref<1024xf32, #tpu.memory_space<hbm>>
    %dma_wait3A_410 = tpu.memref_slice %arg4[%mul3A_142] : memref<524288xf32, #tpu.memory_space<hbm>> -> memref<1024xf32, #tpu.memory_space<hbm>>
    %dma_wait3A_411 = arith.constant 0 : i32
    %dma_wait3A_412 = tpu.memref_slice %arg8[%dma_wait3A_411] : memref<16384xf32, #tpu.memory_space<vmem>> -> memref<1024xf32, #tpu.memory_space<vmem>>
    tpu.wait_dma2 semaphore(%arg9 : memref<!tpu.dma_semaphore, #tpu.memory_space<semaphore_mem>>) src(%dma_wait3A_412 : memref<1024xf32, #tpu.memory_space<vmem>>) dst(%dma_wait3A_410 : memref<1024xf32, #tpu.memory_space<hbm>>)
    %dma_wait3A_413 = arith.constant 1024 : i32
    %dma_wait3A_414 = tpu.memref_slice %arg8[%dma_wait3A_413] : memref<16384xf32, #tpu.memory_space<vmem>> -> memref<1024xf32, #tpu.memory_space<vmem>>
    %dma_wait3A_415 = tpu.memref_slice %arg4[%mul3A_158] : memref<524288xf32, #tpu.memory_space<hbm>> -> memref<1024xf32, #tpu.memory_space<hbm>>
    %dma_wait3A_416 = tpu.memref_slice %arg4[%mul3A_158] : memref<524288xf32, #tpu.memory_space<hbm>> -> memref<1024xf32, #tpu.memory_space<hbm>>
    %dma_wait3A_417 = arith.constant 1024 : i32
    %dma_wait3A_418 = tpu.memref_slice %arg8[%dma_wait3A_417] : memref<16384xf32, #tpu.memory_space<vmem>> -> memref<1024xf32, #tpu.memory_space<vmem>>
    tpu.wait_dma2 semaphore(%arg9 : memref<!tpu.dma_semaphore, #tpu.memory_space<semaphore_mem>>) src(%dma_wait3A_418 : memref<1024xf32, #tpu.memory_space<vmem>>) dst(%dma_wait3A_416 : memref<1024xf32, #tpu.memory_space<hbm>>)
    %dma_wait3A_419 = arith.constant 2048 : i32
    %dma_wait3A_420 = tpu.memref_slice %arg8[%dma_wait3A_419] : memref<16384xf32, #tpu.memory_space<vmem>> -> memref<1024xf32, #tpu.memory_space<vmem>>
    %dma_wait3A_421 = tpu.memref_slice %arg4[%mul3A_174] : memref<524288xf32, #tpu.memory_space<hbm>> -> memref<1024xf32, #tpu.memory_space<hbm>>
    %dma_wait3A_422 = tpu.memref_slice %arg4[%mul3A_174] : memref<524288xf32, #tpu.memory_space<hbm>> -> memref<1024xf32, #tpu.memory_space<hbm>>
    %dma_wait3A_423 = arith.constant 2048 : i32
    %dma_wait3A_424 = tpu.memref_slice %arg8[%dma_wait3A_423] : memref<16384xf32, #tpu.memory_space<vmem>> -> memref<1024xf32, #tpu.memory_space<vmem>>
    tpu.wait_dma2 semaphore(%arg9 : memref<!tpu.dma_semaphore, #tpu.memory_space<semaphore_mem>>) src(%dma_wait3A_424 : memref<1024xf32, #tpu.memory_space<vmem>>) dst(%dma_wait3A_422 : memref<1024xf32, #tpu.memory_space<hbm>>)
    %dma_wait3A_425 = arith.constant 3072 : i32
    %dma_wait3A_426 = tpu.memref_slice %arg8[%dma_wait3A_425] : memref<16384xf32, #tpu.memory_space<vmem>> -> memref<1024xf32, #tpu.memory_space<vmem>>
    %dma_wait3A_427 = tpu.memref_slice %arg4[%mul3A_190] : memref<524288xf32, #tpu.memory_space<hbm>> -> memref<1024xf32, #tpu.memory_space<hbm>>
    %dma_wait3A_428 = tpu.memref_slice %arg4[%mul3A_190] : memref<524288xf32, #tpu.memory_space<hbm>> -> memref<1024xf32, #tpu.memory_space<hbm>>
    %dma_wait3A_429 = arith.constant 3072 : i32
    %dma_wait3A_430 = tpu.memref_slice %arg8[%dma_wait3A_429] : memref<16384xf32, #tpu.memory_space<vmem>> -> memref<1024xf32, #tpu.memory_space<vmem>>
    tpu.wait_dma2 semaphore(%arg9 : memref<!tpu.dma_semaphore, #tpu.memory_space<semaphore_mem>>) src(%dma_wait3A_430 : memref<1024xf32, #tpu.memory_space<vmem>>) dst(%dma_wait3A_428 : memref<1024xf32, #tpu.memory_space<hbm>>)
    %dma_wait3A_431 = arith.constant 4096 : i32
    %dma_wait3A_432 = tpu.memref_slice %arg8[%dma_wait3A_431] : memref<16384xf32, #tpu.memory_space<vmem>> -> memref<1024xf32, #tpu.memory_space<vmem>>
    %dma_wait3A_433 = tpu.memref_slice %arg4[%mul3A_212] : memref<524288xf32, #tpu.memory_space<hbm>> -> memref<1024xf32, #tpu.memory_space<hbm>>
    %dma_wait3A_434 = tpu.memref_slice %arg4[%mul3A_212] : memref<524288xf32, #tpu.memory_space<hbm>> -> memref<1024xf32, #tpu.memory_space<hbm>>
    %dma_wait3A_435 = arith.constant 4096 : i32
    %dma_wait3A_436 = tpu.memref_slice %arg8[%dma_wait3A_435] : memref<16384xf32, #tpu.memory_space<vmem>> -> memref<1024xf32, #tpu.memory_space<vmem>>
    tpu.wait_dma2 semaphore(%arg9 : memref<!tpu.dma_semaphore, #tpu.memory_space<semaphore_mem>>) src(%dma_wait3A_436 : memref<1024xf32, #tpu.memory_space<vmem>>) dst(%dma_wait3A_434 : memref<1024xf32, #tpu.memory_space<hbm>>)
    %dma_wait3A_437 = arith.constant 5120 : i32
    %dma_wait3A_438 = tpu.memref_slice %arg8[%dma_wait3A_437] : memref<16384xf32, #tpu.memory_space<vmem>> -> memref<1024xf32, #tpu.memory_space<vmem>>
    %dma_wait3A_439 = tpu.memref_slice %arg4[%mul3A_228] : memref<524288xf32, #tpu.memory_space<hbm>> -> memref<1024xf32, #tpu.memory_space<hbm>>
    %dma_wait3A_440 = tpu.memref_slice %arg4[%mul3A_228] : memref<524288xf32, #tpu.memory_space<hbm>> -> memref<1024xf32, #tpu.memory_space<hbm>>
    %dma_wait3A_441 = arith.constant 5120 : i32
    %dma_wait3A_442 = tpu.memref_slice %arg8[%dma_wait3A_441] : memref<16384xf32, #tpu.memory_space<vmem>> -> memref<1024xf32, #tpu.memory_space<vmem>>
    tpu.wait_dma2 semaphore(%arg9 : memref<!tpu.dma_semaphore, #tpu.memory_space<semaphore_mem>>) src(%dma_wait3A_442 : memref<1024xf32, #tpu.memory_space<vmem>>) dst(%dma_wait3A_440 : memref<1024xf32, #tpu.memory_space<hbm>>)
    %dma_wait3A_443 = arith.constant 6144 : i32
    %dma_wait3A_444 = tpu.memref_slice %arg8[%dma_wait3A_443] : memref<16384xf32, #tpu.memory_space<vmem>> -> memref<1024xf32, #tpu.memory_space<vmem>>
    %dma_wait3A_445 = tpu.memref_slice %arg4[%mul3A_244] : memref<524288xf32, #tpu.memory_space<hbm>> -> memref<1024xf32, #tpu.memory_space<hbm>>
    %dma_wait3A_446 = tpu.memref_slice %arg4[%mul3A_244] : memref<524288xf32, #tpu.memory_space<hbm>> -> memref<1024xf32, #tpu.memory_space<hbm>>
    %dma_wait3A_447 = arith.constant 6144 : i32
    %dma_wait3A_448 = tpu.memref_slice %arg8[%dma_wait3A_447] : memref<16384xf32, #tpu.memory_space<vmem>> -> memref<1024xf32, #tpu.memory_space<vmem>>
    tpu.wait_dma2 semaphore(%arg9 : memref<!tpu.dma_semaphore, #tpu.memory_space<semaphore_mem>>) src(%dma_wait3A_448 : memref<1024xf32, #tpu.memory_space<vmem>>) dst(%dma_wait3A_446 : memref<1024xf32, #tpu.memory_space<hbm>>)
    %dma_wait3A_449 = arith.constant 7168 : i32
    %dma_wait3A_450 = tpu.memref_slice %arg8[%dma_wait3A_449] : memref<16384xf32, #tpu.memory_space<vmem>> -> memref<1024xf32, #tpu.memory_space<vmem>>
    %dma_wait3A_451 = tpu.memref_slice %arg4[%mul3A_260] : memref<524288xf32, #tpu.memory_space<hbm>> -> memref<1024xf32, #tpu.memory_space<hbm>>
    %dma_wait3A_452 = tpu.memref_slice %arg4[%mul3A_260] : memref<524288xf32, #tpu.memory_space<hbm>> -> memref<1024xf32, #tpu.memory_space<hbm>>
    %dma_wait3A_453 = arith.constant 7168 : i32
    %dma_wait3A_454 = tpu.memref_slice %arg8[%dma_wait3A_453] : memref<16384xf32, #tpu.memory_space<vmem>> -> memref<1024xf32, #tpu.memory_space<vmem>>
    tpu.wait_dma2 semaphore(%arg9 : memref<!tpu.dma_semaphore, #tpu.memory_space<semaphore_mem>>) src(%dma_wait3A_454 : memref<1024xf32, #tpu.memory_space<vmem>>) dst(%dma_wait3A_452 : memref<1024xf32, #tpu.memory_space<hbm>>)
    %dma_wait3A_455 = arith.constant 8192 : i32
    %dma_wait3A_456 = tpu.memref_slice %arg8[%dma_wait3A_455] : memref<16384xf32, #tpu.memory_space<vmem>> -> memref<1024xf32, #tpu.memory_space<vmem>>
    %dma_wait3A_457 = tpu.memref_slice %arg4[%mul3A_282] : memref<524288xf32, #tpu.memory_space<hbm>> -> memref<1024xf32, #tpu.memory_space<hbm>>
    %dma_wait3A_458 = tpu.memref_slice %arg4[%mul3A_282] : memref<524288xf32, #tpu.memory_space<hbm>> -> memref<1024xf32, #tpu.memory_space<hbm>>
    %dma_wait3A_459 = arith.constant 8192 : i32
    %dma_wait3A_460 = tpu.memref_slice %arg8[%dma_wait3A_459] : memref<16384xf32, #tpu.memory_space<vmem>> -> memref<1024xf32, #tpu.memory_space<vmem>>
    tpu.wait_dma2 semaphore(%arg9 : memref<!tpu.dma_semaphore, #tpu.memory_space<semaphore_mem>>) src(%dma_wait3A_460 : memref<1024xf32, #tpu.memory_space<vmem>>) dst(%dma_wait3A_458 : memref<1024xf32, #tpu.memory_space<hbm>>)
    %dma_wait3A_461 = arith.constant 9216 : i32
    %dma_wait3A_462 = tpu.memref_slice %arg8[%dma_wait3A_461] : memref<16384xf32, #tpu.memory_space<vmem>> -> memref<1024xf32, #tpu.memory_space<vmem>>
    %dma_wait3A_463 = tpu.memref_slice %arg4[%mul3A_298] : memref<524288xf32, #tpu.memory_space<hbm>> -> memref<1024xf32, #tpu.memory_space<hbm>>
    %dma_wait3A_464 = tpu.memref_slice %arg4[%mul3A_298] : memref<524288xf32, #tpu.memory_space<hbm>> -> memref<1024xf32, #tpu.memory_space<hbm>>
    %dma_wait3A_465 = arith.constant 9216 : i32
    %dma_wait3A_466 = tpu.memref_slice %arg8[%dma_wait3A_465] : memref<16384xf32, #tpu.memory_space<vmem>> -> memref<1024xf32, #tpu.memory_space<vmem>>
    tpu.wait_dma2 semaphore(%arg9 : memref<!tpu.dma_semaphore, #tpu.memory_space<semaphore_mem>>) src(%dma_wait3A_466 : memref<1024xf32, #tpu.memory_space<vmem>>) dst(%dma_wait3A_464 : memref<1024xf32, #tpu.memory_space<hbm>>)
    %dma_wait3A_467 = arith.constant 10240 : i32
    %dma_wait3A_468 = tpu.memref_slice %arg8[%dma_wait3A_467] : memref<16384xf32, #tpu.memory_space<vmem>> -> memref<1024xf32, #tpu.memory_space<vmem>>
    %dma_wait3A_469 = tpu.memref_slice %arg4[%mul3A_314] : memref<524288xf32, #tpu.memory_space<hbm>> -> memref<1024xf32, #tpu.memory_space<hbm>>
    %dma_wait3A_470 = tpu.memref_slice %arg4[%mul3A_314] : memref<524288xf32, #tpu.memory_space<hbm>> -> memref<1024xf32, #tpu.memory_space<hbm>>
    %dma_wait3A_471 = arith.constant 10240 : i32
    %dma_wait3A_472 = tpu.memref_slice %arg8[%dma_wait3A_471] : memref<16384xf32, #tpu.memory_space<vmem>> -> memref<1024xf32, #tpu.memory_space<vmem>>
    tpu.wait_dma2 semaphore(%arg9 : memref<!tpu.dma_semaphore, #tpu.memory_space<semaphore_mem>>) src(%dma_wait3A_472 : memref<1024xf32, #tpu.memory_space<vmem>>) dst(%dma_wait3A_470 : memref<1024xf32, #tpu.memory_space<hbm>>)
    %dma_wait3A_473 = arith.constant 11264 : i32
    %dma_wait3A_474 = tpu.memref_slice %arg8[%dma_wait3A_473] : memref<16384xf32, #tpu.memory_space<vmem>> -> memref<1024xf32, #tpu.memory_space<vmem>>
    %dma_wait3A_475 = tpu.memref_slice %arg4[%mul3A_330] : memref<524288xf32, #tpu.memory_space<hbm>> -> memref<1024xf32, #tpu.memory_space<hbm>>
    %dma_wait3A_476 = tpu.memref_slice %arg4[%mul3A_330] : memref<524288xf32, #tpu.memory_space<hbm>> -> memref<1024xf32, #tpu.memory_space<hbm>>
    %dma_wait3A_477 = arith.constant 11264 : i32
    %dma_wait3A_478 = tpu.memref_slice %arg8[%dma_wait3A_477] : memref<16384xf32, #tpu.memory_space<vmem>> -> memref<1024xf32, #tpu.memory_space<vmem>>
    tpu.wait_dma2 semaphore(%arg9 : memref<!tpu.dma_semaphore, #tpu.memory_space<semaphore_mem>>) src(%dma_wait3A_478 : memref<1024xf32, #tpu.memory_space<vmem>>) dst(%dma_wait3A_476 : memref<1024xf32, #tpu.memory_space<hbm>>)
    %dma_wait3A_479 = arith.constant 12288 : i32
    %dma_wait3A_480 = tpu.memref_slice %arg8[%dma_wait3A_479] : memref<16384xf32, #tpu.memory_space<vmem>> -> memref<1024xf32, #tpu.memory_space<vmem>>
    %dma_wait3A_481 = tpu.memref_slice %arg4[%mul3A_352] : memref<524288xf32, #tpu.memory_space<hbm>> -> memref<1024xf32, #tpu.memory_space<hbm>>
    %dma_wait3A_482 = tpu.memref_slice %arg4[%mul3A_352] : memref<524288xf32, #tpu.memory_space<hbm>> -> memref<1024xf32, #tpu.memory_space<hbm>>
    %dma_wait3A_483 = arith.constant 12288 : i32
    %dma_wait3A_484 = tpu.memref_slice %arg8[%dma_wait3A_483] : memref<16384xf32, #tpu.memory_space<vmem>> -> memref<1024xf32, #tpu.memory_space<vmem>>
    tpu.wait_dma2 semaphore(%arg9 : memref<!tpu.dma_semaphore, #tpu.memory_space<semaphore_mem>>) src(%dma_wait3A_484 : memref<1024xf32, #tpu.memory_space<vmem>>) dst(%dma_wait3A_482 : memref<1024xf32, #tpu.memory_space<hbm>>)
    %dma_wait3A_485 = arith.constant 13312 : i32
    %dma_wait3A_486 = tpu.memref_slice %arg8[%dma_wait3A_485] : memref<16384xf32, #tpu.memory_space<vmem>> -> memref<1024xf32, #tpu.memory_space<vmem>>
    %dma_wait3A_487 = tpu.memref_slice %arg4[%mul3A_368] : memref<524288xf32, #tpu.memory_space<hbm>> -> memref<1024xf32, #tpu.memory_space<hbm>>
    %dma_wait3A_488 = tpu.memref_slice %arg4[%mul3A_368] : memref<524288xf32, #tpu.memory_space<hbm>> -> memref<1024xf32, #tpu.memory_space<hbm>>
    %dma_wait3A_489 = arith.constant 13312 : i32
    %dma_wait3A_490 = tpu.memref_slice %arg8[%dma_wait3A_489] : memref<16384xf32, #tpu.memory_space<vmem>> -> memref<1024xf32, #tpu.memory_space<vmem>>
    tpu.wait_dma2 semaphore(%arg9 : memref<!tpu.dma_semaphore, #tpu.memory_space<semaphore_mem>>) src(%dma_wait3A_490 : memref<1024xf32, #tpu.memory_space<vmem>>) dst(%dma_wait3A_488 : memref<1024xf32, #tpu.memory_space<hbm>>)
    %dma_wait3A_491 = arith.constant 14336 : i32
    %dma_wait3A_492 = tpu.memref_slice %arg8[%dma_wait3A_491] : memref<16384xf32, #tpu.memory_space<vmem>> -> memref<1024xf32, #tpu.memory_space<vmem>>
    %dma_wait3A_493 = tpu.memref_slice %arg4[%mul3A_384] : memref<524288xf32, #tpu.memory_space<hbm>> -> memref<1024xf32, #tpu.memory_space<hbm>>
    %dma_wait3A_494 = tpu.memref_slice %arg4[%mul3A_384] : memref<524288xf32, #tpu.memory_space<hbm>> -> memref<1024xf32, #tpu.memory_space<hbm>>
    %dma_wait3A_495 = arith.constant 14336 : i32
    %dma_wait3A_496 = tpu.memref_slice %arg8[%dma_wait3A_495] : memref<16384xf32, #tpu.memory_space<vmem>> -> memref<1024xf32, #tpu.memory_space<vmem>>
    tpu.wait_dma2 semaphore(%arg9 : memref<!tpu.dma_semaphore, #tpu.memory_space<semaphore_mem>>) src(%dma_wait3A_496 : memref<1024xf32, #tpu.memory_space<vmem>>) dst(%dma_wait3A_494 : memref<1024xf32, #tpu.memory_space<hbm>>)
    %dma_wait3A_497 = arith.constant 15360 : i32
    %dma_wait3A_498 = tpu.memref_slice %arg8[%dma_wait3A_497] : memref<16384xf32, #tpu.memory_space<vmem>> -> memref<1024xf32, #tpu.memory_space<vmem>>
    %dma_wait3A_499 = tpu.memref_slice %arg4[%mul3A_400] : memref<524288xf32, #tpu.memory_space<hbm>> -> memref<1024xf32, #tpu.memory_space<hbm>>
    %dma_wait3A_500 = tpu.memref_slice %arg4[%mul3A_400] : memref<524288xf32, #tpu.memory_space<hbm>> -> memref<1024xf32, #tpu.memory_space<hbm>>
    %dma_wait3A_501 = arith.constant 15360 : i32
    %dma_wait3A_502 = tpu.memref_slice %arg8[%dma_wait3A_501] : memref<16384xf32, #tpu.memory_space<vmem>> -> memref<1024xf32, #tpu.memory_space<vmem>>
    tpu.wait_dma2 semaphore(%arg9 : memref<!tpu.dma_semaphore, #tpu.memory_space<semaphore_mem>>) src(%dma_wait3A_502 : memref<1024xf32, #tpu.memory_space<vmem>>) dst(%dma_wait3A_500 : memref<1024xf32, #tpu.memory_space<hbm>>)
    return
  }
}

</mosaic_0001>

<sc_bundles>
// kernel: kernel.3.cloned.1.call-start
scs
__scs_entry_jumppad:
0x0: {  	(pc) =	sbr.rel $0x88, $3  }
0x1: {  	(tag) =	ssettag $0x0;
	lr =	simm.s32 $0x1  }
0x2: {  	[smem:$0x3F9F] =	sst lr;
	_ =	strace $0xD0000000  }
0x3: {  	_ = 	snop  }
0x4: {  	_ = 	snop  }
0x5: {  	_ = 	snop  }
0x6: {  	_ = 	snop  }
0x7: {  	_ = 	snop  }
__scs_overlays_trampoline_lowered:
0x8: {  	[smem:$0x3FAE] =	sst s0  }
0x9: {  	[smem:$0x3FAF] =	sst s1  }
0xa: {  	[smem:$0x3FB0] =	sst s2  }
0xb: {  	[smem:$0x3FB1] =	sst s3  }
0xc: {  	[smem:$0x3FB2] =	sst s4  }
0xd: {  	[smem:$0x3FB3] =	sst s5  }
0xe: {  	[smem:$0x3FB4] =	sst s6  }
0xf: {  	[smem:$0x3FB5] =	sst s7  }
0x10: {  	[smem:$0x3FB6] =	sst s8  }
0x11: {  	[smem:$0x3FB7] =	sst s9;
	s0 =	simm.s32 @!p0 $0x0  }
0x12: {  	s1 =	sld [smem:$0x3F9D];
	s0 =	simm.s32 @p0 $0x1  }
0x13: {  	[smem:$0x3FB8] =	sst s0;
	s0 =	simm.s32 @!p1 $0x0  }
0x14: {  	s2 =	sld [smem:$0x3F9C];
	s0 =	simm.s32 @p1 $0x1  }
0x15: {  	[smem:$0x3FB9] =	sst s0;
	s0 =	simm.s32 @!p2 $0x0  }
0x16: {  	s3 =	sld [smem:$0x3FDB];
	s0 =	simm.s32 @p2 $0x1  }
0x17: {  	s4 =	simm.s32 $0x1BF5;
	[smem:$0x3FBB] =	sst s0  }
0x18: {  	s0 =	sld [smem:$0x3F9E];
	_ =	swait.ge [sflag:s4], $0x0  }
0x19: {  	s7 =	sld [smem:$0x3F9F]  }
0x1a: {  	s8 =	sadd.s32 $0xFFFFE003, lr  }
0x1b: {  	s9 =	sadd.s32 $0xFFFFFEF7, lr;
	s5 =	simm.s32 $0xFFFFFFFF;
	p2 =	slt.u32 s8, $0xFFFFF086  }
0x1c: {  	p1 =	slt.u32 s9, $0xF7A;
	s5 =	simm.s32 @!p2 $0x0  }
0x1d: {  	s5 =	simm.s32 @p1 $0x1;
	p0 =	seq.s32 s7, s2  }
0x1e: {  	s7 =	smul.u32 @!p0 $0xF7A, s2;
	p2 =	seq.s32 @!p0 s5, $0x0  }
0x1f: {  	s9 =	smul.u32 $0xF7A, s1;
	s8 =	simm.s32 @!p0 $0x1BF5;
	p2 =	por !p2, p0  }
0x20: {  	[sflag:s8] =	ssyncset.s32 @!p0 $0xFFFFF086;
	s6 =	sadd.s32 @!p0 s3, s7;
	s7 =	simm.s32 @!p0 $0x108  }
0x21: {  	s3 =	sadd.s32 s3, s9;
	s6 =	sadd.s32 @!p0 $0x88, s6;
	s7 =	simm.s32 @p2 $0x1082  }
0x22: {  	[simem:s7], [sflag:s8] =	dma.local @!p0 [hbm:s6], $0xF7A  }
0x23: {  	s9 =	sor.u32 $0xD0000000, s2;
	s6 =	simm.s32 $0x108;
	_ =	swait.ge @!p0 [sflag:s8], $0x0  }
0x24: {  	s3 =	sadd.s32 $0x88, s3;
	s6 =	simm.s32 @!p1 $0x1082;
	[sflag:s4] =	ssyncset.s32 $0xFFFFF086  }
0x25: {  	[simem:s6], [sflag:s4] =	dma.local [hbm:s3], $0xF7A  }
0x26: {  	[smem:$0x3F9F] =	sst s1;
	(tag) =	ssettag s2;
	_ =	strace s9  }
0x27: {  	s1 =	sld [smem:$0x3FAF]  }
0x28: {  	s2 =	sld [smem:$0x3FB0]  }
0x29: {  	s4 =	sld [smem:$0x3FB2]  }
0x2a: {  	p0 =	seq.s32 s5, $0x0;
	s5 =	sld [smem:$0x3FB3]  }
0x2b: {  	s6 =	sld [smem:$0x3FB4]  }
0x2c: {  	s7 =	sld [smem:$0x3FB5]  }
0x2d: {  	s3 =	simm.s32 $0x108;
	s8 =	sld [smem:$0x3FB6]  }
0x2e: {  	s3 =	simm.s32 @!p0 $0x1082;
	s9 =	sld [smem:$0x3FB7]  }
0x2f: {  	lr =	sadd.s32 s0, s3;
	s0 =	sld [smem:$0x3FAE]  }
0x30: {  	s3 =	sld [smem:$0x3FB1]  }
0x31: {  	[smem:$0x3FBA] =	sst s10  }
0x32: {  	s10 =	sld [smem:$0x3FB8];
	_ =	sdelay $0x3  }
0x33: {  	p0 =	seq.s32 s10, $0x1;
	s10 =	sld [smem:$0x3FBA];
	_ =	sdelay $0x3  }
0x34: {  	[smem:$0x3FBA] =	sst s10  }
0x35: {  	s10 =	sld [smem:$0x3FB9];
	_ =	sdelay $0x3  }
0x36: {  	p1 =	seq.s32 s10, $0x1;
	s10 =	sld [smem:$0x3FBA];
	_ =	sdelay $0x3  }
0x37: {  	[smem:$0x3FBA] =	sst s10  }
0x38: {  	s10 =	sld [smem:$0x3FBB]  }
0x39: {  	_ = 	snop;
	(pc) =	sbr.ind lr, $3  }
0x3a: {  	_ = 	snop  }
0x3b: {  	_ = 	snop  }
0x3c: {  	p2 =	seq.s32 s10, $0x1;
	s10 =	sld [smem:$0x3FBA]  }
0x3d: {  	_ =	shalt  }
0x3e: {  	_ =	shalt  }
0x3f: {  	_ =	shalt  }
0x40: {  	_ =	shalt  }
0x41: {  	_ =	shalt  }
0x42: {  	_ =	shalt  }
0x43: {  	_ =	shalt  }
0x44: {  	_ =	shalt  }
0x45: {  	_ =	shalt  }
0x46: {  	_ =	shalt  }
0x47: {  	_ =	shalt  }
0x48: {  	_ =	shalt  }
0x49: {  	_ =	shalt  }
0x4a: {  	_ =	shalt  }
0x4b: {  	_ =	shalt  }
0x4c: {  	_ =	shalt  }
0x4d: {  	_ =	shalt  }
0x4e: {  	_ =	shalt  }
0x4f: {  	_ =	shalt  }
0x50: {  	_ =	shalt  }
0x51: {  	_ =	shalt  }
0x52: {  	_ =	shalt  }
0x53: {  	_ =	shalt  }
0x54: {  	_ =	shalt  }
0x55: {  	_ =	shalt  }
0x56: {  	_ =	shalt  }
0x57: {  	_ =	shalt  }
0x58: {  	_ =	shalt  }
0x59: {  	_ =	shalt  }
0x5a: {  	_ =	shalt  }
0x5b: {  	_ =	shalt  }
0x5c: {  	_ =	shalt  }
0x5d: {  	_ =	shalt  }
0x5e: {  	_ =	shalt  }
0x5f: {  	_ =	shalt  }
0x60: {  	_ =	shalt  }
0x61: {  	_ =	shalt  }
0x62: {  	_ =	shalt  }
0x63: {  	_ =	shalt  }
0x64: {  	_ =	shalt  }
0x65: {  	_ =	shalt  }
0x66: {  	_ =	shalt  }
0x67: {  	_ =	shalt  }
0x68: {  	_ =	shalt  }
0x69: {  	_ =	shalt  }
0x6a: {  	_ =	shalt  }
0x6b: {  	_ =	shalt  }
0x6c: {  	_ =	shalt  }
0x6d: {  	_ =	shalt  }
0x6e: {  	_ =	shalt  }
0x6f: {  	_ =	shalt  }
0x70: {  	_ =	shalt  }
0x71: {  	_ =	shalt  }
0x72: {  	_ =	shalt  }
0x73: {  	_ =	shalt  }
0x74: {  	_ =	shalt  }
0x75: {  	_ =	shalt  }
0x76: {  	_ =	shalt  }
0x77: {  	_ =	shalt  }
0x78: {  	_ =	shalt  }
0x79: {  	_ =	shalt  }
0x7a: {  	_ =	shalt  }
0x7b: {  	_ =	shalt  }
0x7c: {  	_ =	shalt  }
0x7d: {  	_ =	shalt  }
0x7e: {  	_ =	shalt  }
0x7f: {  	_ =	shalt  }
0x80: {  	_ =	shalt  }
0x81: {  	_ =	shalt  }
0x82: {  	_ =	shalt  }
0x83: {  	_ =	shalt  }
0x84: {  	_ =	shalt  }
0x85: {  	_ =	shalt  }
0x86: {  	_ =	shalt  }
0x87: {  	_ =	shalt  }
.Lfunc_end0:
.L_simem_size_0:
called_computation_lowered:
.L_overlay_start_0:
0x88: {  	s2 =	sld [smem:$0x3FD9]  }
0x89: {  	s3 =	sld [smem:$0x3FFE];
	_ =	sdelay $0x1  }
0x8a: {  	s1 =	srdreg.scid  }
0x8b: {  	s0 =	sand.u32 $0x1, s1  }
0x8c: {  	s17 =	sshll.u32 s0, $0xA;
	s2 =	sadd.s32 s3, s2  }
0x8d: {  	s2 =	sadd.s32 s2, s17  }
0x8e: {  	[smem:$0x3FC6] =	sst s2  }
0x8f: {  	_ = 	snop  }
0x90: {  	s2 =	sld [smem:$0x3FC8]  }
0x91: {  	s18 =	sld [smem:$0x3FD0];
	(tm) =	ssettm $0x1  }
0x92: {  	s4 =	sld [smem:$0x3FFB];
	_ =	sdelay $0x3  }
0x93: {  	_ =	strace s4  }
0x94: {  	s4 =	sld [smem:$0x3FFC];
	_ =	sdelay $0x3  }
0x95: {  	_ =	strace s4  }
0x96: {  	s4 =	sld [smem:$0x3FFD];
	_ =	sdelay $0x3  }
0x97: {  	_ =	strace s4  }
0x98: {  	_ =	strace $0x8FFFFFFF  }
0x99: {  	s19 =	sld [smem:$0x3FDB];
	_ =	sdelay $0x1  }
0x9a: {  	s5 =	simm.s32 $_scs_section_size  }
0x9b: {  	s6 =	simm.s32 $_size__tile_overlayer_lowered;
	s7 =	simm.s32 $_tile_overlayer_lowered  }
0x9c: {  	s22 =	simm.s32 $0x1BFF;
	s21 =	sshll.u32 s7, $0x1;
	s4 =	sadd.s32 s5, s19  }
0x9d: {  	s8 =	simm.s32 $0x0;
	s20 =	sshll.u32 s6, $0x1;
	s6 =	sadd.s32 s21, s4  }
0x9e: {  	[timem:s8], [sflag:s22] =	dma.local [hbm:s6], s20  }
0x9f: {  	_ =	swait.ge [sflag:s22], s20  }
0xa0: {  	s5 =	ssub.s32 $0x0, s20;
	[sflag:s22] =	ssyncset.done $0x0  }
0xa1: {  	[sflag:s22] =	ssyncadd.s32 s5;
	_ =	sdelay $0x1  }
0xa2: {  	s23 =	simm.s32 $0x1B8B  }
0xa3: {  	_ =	swait.ge [sflag:s23], $0x1  }
0xa4: {  	[sflag:s23] =	ssyncset.done $0x0  }
0xa5: {  	s25 =	simm.s32 $0x1B8E;
	s24 =	sld [smem:$0x3FFE];
	[sflag:s23] =	ssyncadd.s32 $0xFFFFFFFF  }
0xa6: {  	s26 =	simm.s32 $execute0_lowered;
	[smem:$0x3FD2] =	sst s25  }
0xa7: {  	s6 =	sshll.u32 s26, $0x1;
	_ =	strace $0x80000046;
	[dreg:$0x1] =	wrdreg $0xFFFFFFFF  }
0xa8: {  	s28 =	simm.s32 $_size_execute0_lowered;
	s4 =	sadd.s32 s4, s6;
	[dreg:$0x0] =	wrdreg $0x0  }
0xa9: {  	s6 =	sshll.u32 s28, $0x1;
	[dreg:$0x2] =	wrdreg s4  }
0xaa: {  	[dreg:$0x3] =	wrdreg s6  }
0xab: {  	[dreg:$0x4] =	wrdreg $0xC0  }
0xac: {  	_ =	task [dreg:s8], $0x5FFFF  }
0xad: {  	[dreg:$0x1] =	wrdreg $0xFFFFFFFF  }
0xae: {  	[dreg:$0x0] =	wrdreg $0x60  }
0xaf: {  	[dreg:$0x2] =	wrdreg s24  }
0xb0: {  	[dreg:$0x3] =	wrdreg s2  }
0xb1: {  	[dreg:$0x4] =	wrdreg s18  }
0xb2: {  	[dreg:$0x5] =	wrdreg $0x9  }
0xb3: {  	_ =	task.clear_ibuf [dreg:s8], $0x6FFFF;
	_ =	strace $0x90000046  }
0xb4: {  	s29 =	simm.s32 $0x9;
	_ =	strace $0x80000048  }
0xb5: {  	_ =	swait.ge [sflag:s29], $0x1  }
0xb6: {  	[sflag:s29] =	ssyncadd.s32 $0xFFFFFFFF  }
0xb7: {  	_ =	strace $0x90000048  }
0xb8: {  	_ =	sfence  }
0xb9: {  	s30 =	sld [smem:$0x0];
	_ =	sdelay $0x2  }
0xba: {  	s31 =	sshll.u32 s1, $0xD;
	s1 =	sshrl.u32 s1, $0x2  }
0xbb: {  	s3 =	sand.u32 $0x4000, s31;
	s1 =	sadd.s32 s1, s30  }
0xbc: {  	s0 =	sor.u32 s3, s0;
	s1 =	sshll.u32 s1, $0x11  }
0xbd: {  	s0 =	sor.u32 s1, s0  }
0xbe: {  	s0 =	sadd.s32 $0x8F2B, s0  }
0xbf: {  	[sflag:s0] =	ssyncadd.remote.s32 $0x1  }
0xc0: {  	_ =	sfence.sel $0xFFFF  }
0xc1: {  	[dreg:$0x0] =	wrdreg $0xFFFFFFFF;
	(pc) =	sbr.abs _section_cstart, $3  }
0xc2: {  	[dreg:$0x1] =	wrdreg $0xFFFFFFFF  }
0xc3: {  	_ =	task.clear_ibuf [dreg:s8], $0x2FFFF;
	_ =	strace $0x9FFFFFFF  }
0xc4: {  	(tm) =	ssettm $0x7FFFFFFF  }
0xc5: {  	_ =	shalt  }
tec
execute0_lowered:
.L_overlay_start_1:
0x0: {  	(tag) =	ssettag $0x1  }
0x1: {  	s0 =	rddreg [dreg:$0x0]  }
0x2: {  	s1 =	rddreg [dreg:$0x1]  }
0x3: {  	s2 =	rddreg [dreg:$0x2];
	s3 =	simm.s32 $0x0  }
0x4: {  	s4 =	srdreg.scid;
	s5 =	stileid.u32;
	s22 =	simm.s32 $0x9A00  }
0x5: {  	s31 =	simm.s32 $0x5;
	s4 =	sand.u32 $0x1, s4;
	s5 =	sshll.u32 s5, $0x1  }
0x6: {  	s29 =	simm.s32 $0x1;
	[smem:$0x7FF] =	sst s3;
	s5 =	sor.u32 s4, s5  }
0x7: {  	_ =	strace $0x80000047;
	s7 =	ssub.s32 $0x2, s4;
	s6 =	sshll.u32 s5, $0x6  }
0x8: {  	s23 =	sshll.u32 s5, $0x9;
	s24 =	sshrl.u32 s7, $0x1;
	s5 =	simm.s32 $0x0  }
0x9: {  	s0 =	sadd.s32 s6, s0;
	s4 =	sadd.s32 s2, s23;
	s25 =	ssub.s32 s7, s24  }
0xa: {  	s24 =	simm.s32 $0x6;
	s23 =	simm.s32 $0x2;
	s2 =	simm.s32 $0x3  }
0xb: {  	s0 =	sadd.s32 $0x400, s0;
	s26 =	sadd.s32 $0x4000, s4;
	s28 =	sadd.s32 $0x8000, s4  }
0xc: {  	s30 =	sadd.s32 $0xC000, s4;
	s9 =	sadd.s32 $0x80, s4;
	s10 =	sadd.s32 $0x4080, s4  }
0xd: {  	s11 =	sadd.s32 $0x8080, s4;
	s12 =	sadd.s32 $0xC080, s4;
	s13 =	sadd.s32 $0x100, s4  }
0xe: {  	s14 =	sadd.s32 $0x4100, s4;
	s15 =	sadd.s32 $0x8100, s4;
	s16 =	sadd.s32 $0xC100, s4  }
0xf: {  	s17 =	sadd.s32 $0x180, s4;
	s18 =	sadd.s32 $0x4180, s4;
	[dreg:$0x4] =	wrdreg s0  }
0x10: {  	s19 =	sadd.s32 $0x8180, s4;
	s20 =	sadd.s32 $0xC180, s4;
	[dreg:$0x5] =	wrdreg s26  }
0x11: {  	s21 =	smax.u32 s25, $0x1;
	s25 =	simm.s32 $0x1000;
	[dreg:$0x6] =	wrdreg s28  }
0x12: {  	[dreg:$0x7] =	wrdreg s30;
	s0 =	simm.s32 $0x8A00;
	s26 =	simm.s32 $0x4  }
.LBB2_1:
0x13: {  	s6 =	rddreg [dreg:$0x4];
	s7 =	simm.s32 $0x200;
	s8 =	simm.s32 $0x4000  }
0x14: {  	[tilespmem:s3], [sflag:$0x6] =	stream.strided.gather [hbm4b:s6+s7], $0x2800, s8, s7, $0x38;
	[tilespmem:$0xAA00] =	vst v63  }
0x15: {  	_ =	swait.ge [sflag:s24], $0x2800  }
0x16: {  	[sflag:s24] =	ssyncset.done $0x0  }
0x17: {  	s28 =	simm.s32 $0x0;
	[sflag:s24] =	ssyncadd.s32 $0xFFFFD800  }
0x18: {  	v1 =	vld [tilespmem:s28+$0x1E00]  }
0x19: {  	v0 =	vld [tilespmem:s28+$0x1600]  }
0x1a: {  	v2 =	vld [tilespmem:s28+$0xE00]  }
0x1b: {  	v3 =	vld [tilespmem:s28+$0x400]  }
0x1c: {  	v4 =	vld [tilespmem:s28+$0x0]  }
0x1d: {  	v5 =	vld [tilespmem:s28+$0x200]  }
0x1e: {  	v6 =	vld [tilespmem:s28+$0x600]  }
0x1f: {  	v7 =	vld [tilespmem:s28+$0x800]  }
0x20: {  	v8 =	vld [tilespmem:s28+$0xA00]  }
0x21: {  	v9 =	vld [tilespmem:s28+$0xC00]  }
0x22: {  	v10 =	vld [tilespmem:s28+$0x1000];
	v4 =	vshll.u32 v4, $0x2;
	v5 =	vshll.u32 v5, $0x1  }
0x23: {  	v4 =	vadd.s32 v4, v5;
	v5 =	vld [tilespmem:s28+$0x1200]  }
0x24: {  	v3 =	vadd.s32 v3, v4;
	v4 =	vshll.u32 v6, $0x3;
	v6 =	vshll.u32 v7, $0x2;
	v7 =	vld [tilespmem:s28+$0x1400]  }
0x25: {  	v3 =	vshll.u32 v3, $0x4;
	v4 =	vadd.s32 v6, v4;
	v6 =	vshll.u32 v8, $0x1;
	v8 =	vld [tilespmem:s28+$0x1800]  }
0x26: {  	v3 =	vadd.s32 v4, v3;
	v4 =	vadd.s32 v6, v9;
	v6 =	vld [tilespmem:s28+$0x1A00]  }
0x27: {  	v61 =	vld [tilespmem:s28+$0x1C00];
	v2 =	vshll.u32 v2, $0x3;
	v3 =	vadd.s32 v3, v4;
	v4 =	vshll.u32 v10, $0x2  }
0x28: {  	v3 =	vshll.u32 v3, $0x4;
	v2 =	vadd.s32 v4, v2;
	v4 =	vshll.u32 v5, $0x1;
	v5 =	vld [tilespmem:s28+$0x2000]  }
0x29: {  	v2 =	vadd.s32 v2, v3;
	v3 =	vadd.s32 v4, v7;
	v7 =	vld [tilespmem:s28+$0x2200]  }
0x2a: {  	v0 =	vshll.u32 v0, $0x3;
	v2 =	vadd.s32 v2, v3;
	v3 =	vshll.u32 v8, $0x2;
	v8 =	vld [tilespmem:s28+$0x2400]  }
0x2b: {  	s6 =	simm.s32 $0x10;
	v4 =	vld [tilespmem:s28+$0x2600];
	v62 =	vshll.u32 v2, $0x4;
	v0 =	vadd.s32 v3, v0;
	v3 =	vshll.u32 v6, $0x1  }
0x2c: {  	v2 =	vld [tilespmem:s6+$0x1E00];
	v6 =	vadd.s32 v0, v62;
	v3 =	vadd.s32 v3, v61  }
0x2d: {  	v0 =	vld [tilespmem:s6+$0x1600];
	v3 =	vadd.s32 v6, v3;
	v6 =	vshll.u32 v1, $0x3;
	v5 =	vshll.u32 v5, $0x2  }
0x2e: {  	v1 =	vld [tilespmem:s6+$0xE00];
	v63 =	vshll.u32 v3, $0x4;
	v5 =	vadd.s32 v5, v6;
	v6 =	vshll.u32 v7, $0x1  }
0x2f: {  	v3 =	vld [tilespmem:s6+$0x400];
	v7 =	vadd.s32 v5, v63;
	v6 =	vadd.s32 v6, v8  }
0x30: {  	s7 =	simm.s32 $0x80;
	v5 =	vld [tilespmem:s6+$0x0];
	v6 =	vadd.s32 v7, v6  }
.LBB2_2:
0x31: {  	p0 =	sne.s32 s7, $0x1C0;
	v7 =	vld [tilespmem:s6+$0x200];
	v6 =	vshll.u32 v6, $0x1;
	v8 =	vmov v2  }
0x32: {  	v2 =	vld [tilespmem:s6+$0x600];
	v4 =	vadd.s32 v4, v6  }
0x33: {  	v6 =	vld [tilespmem:s6+$0x800];
	v9 =	vshll.u32 v4, $0x3  }
0x34: {  	v4 =	vand.u32 $0x7F, v4;
	v10 =	vld [tilespmem:s6+$0xA00];
	v9 =	vand.u32 $0xFFFFFC00, v9  }
0x35: {  	v11 =	vld [tilespmem:s6+$0xC00];
	v4 =	vor.u32 v4, v9  }
0x36: {  	v5 =	vshll.u32 v5, $0x2;
	v7 =	vshll.u32 v7, $0x1;
	v9 =	vld [tilespmem:s6+$0x1000];
	[tilespmem:s28+$0x2800] =	vst v4;
	s28 =	smov.u32 s6  }
0x37: {  	v4 =	vadd.s32 v5, v7;
	v5 =	vld [tilespmem:s28+$0x1200]  }
0x38: {  	v2 =	vshll.u32 v2, $0x3;
	v3 =	vadd.s32 v3, v4;
	v4 =	vshll.u32 v6, $0x2;
	v6 =	vld [tilespmem:s28+$0x1400]  }
0x39: {  	v3 =	vshll.u32 v3, $0x4;
	v2 =	vadd.s32 v4, v2;
	v4 =	vshll.u32 v10, $0x1;
	v7 =	vld [tilespmem:s28+$0x1800]  }
0x3a: {  	v2 =	vadd.s32 v2, v3;
	v3 =	vadd.s32 v4, v11;
	v4 =	vld [tilespmem:s28+$0x1A00]  }
0x3b: {  	v1 =	vshll.u32 v1, $0x3;
	v2 =	vadd.s32 v2, v3;
	v3 =	vshll.u32 v9, $0x2;
	v9 =	vld [tilespmem:s28+$0x1C00]  }
0x3c: {  	v2 =	vshll.u32 v2, $0x4;
	v1 =	vadd.s32 v3, v1;
	v3 =	vshll.u32 v5, $0x1;
	v5 =	vld [tilespmem:s28+$0x2000]  }
0x3d: {  	v1 =	vadd.s32 v1, v2;
	v2 =	vadd.s32 v3, v6;
	v3 =	vld [tilespmem:s28+$0x2200]  }
0x3e: {  	v0 =	vshll.u32 v0, $0x3;
	v1 =	vadd.s32 v1, v2;
	v2 =	vshll.u32 v7, $0x2;
	v6 =	vld [tilespmem:s28+$0x2400]  }
0x3f: {  	s6 =	sshra.s32 s7, $0x2;
	v1 =	vshll.u32 v1, $0x4;
	v0 =	vadd.s32 v2, v0;
	v7 =	vshll.u32 v4, $0x1;
	v4 =	vld [tilespmem:s28+$0x2600]  }
.Ltmp0:
0x40: {  	v2 =	vld [tilespmem:s6+$0x1E00];
	v1 =	vadd.s32 v0, v1;
	v7 =	vadd.s32 v7, v9;
	(pc) =	sbr.rel @p0 .LBB2_2-.Ltmp0, $4  }
0x41: {  	v8 =	vshll.u32 v8, $0x3;
	v0 =	vld [tilespmem:s6+$0x1600];
	v7 =	vadd.s32 v1, v7;
	v5 =	vshll.u32 v5, $0x2  }
0x42: {  	v1 =	vld [tilespmem:s6+$0xE00];
	v7 =	vshll.u32 v7, $0x4;
	v5 =	vadd.s32 v5, v8;
	v8 =	vshll.u32 v3, $0x1  }
0x43: {  	v3 =	vld [tilespmem:s6+$0x400];
	v7 =	vadd.s32 v5, v7;
	v6 =	vadd.s32 v8, v6  }
0x44: {  	s7 =	sadd.s32 $0x40, s7;
	v5 =	vld [tilespmem:s6+$0x0];
	v6 =	vadd.s32 v7, v6  }
0x45: {  	v7 =	vld [tilespmem:s6+$0x200];
	v6 =	vshll.u32 v6, $0x1  }
0x46: {  	v8 =	vld [tilespmem:s6+$0x600];
	v4 =	vadd.s32 v4, v6  }
0x47: {  	v6 =	vld [tilespmem:s6+$0x800];
	v9 =	vshll.u32 v4, $0x3  }
0x48: {  	v10 =	vld [tilespmem:s6+$0xA00];
	v4 =	vand.u32 $0x7F, v4;
	v9 =	vand.u32 $0xFFFFFC00, v9  }
0x49: {  	v11 =	vld [tilespmem:s6+$0xC00];
	v4 =	vor.u32 v4, v9  }
0x4a: {  	v9 =	vld [tilespmem:s6+$0x1000];
	v5 =	vshll.u32 v5, $0x2;
	v7 =	vshll.u32 v7, $0x1;
	[tilespmem:s28+$0x2800] =	vst v4  }
0x4b: {  	v4 =	vadd.s32 v5, v7;
	v5 =	vld [tilespmem:s6+$0x1200]  }
0x4c: {  	v6 =	vshll.u32 v6, $0x2;
	v7 =	vld [tilespmem:s6+$0x1400];
	v3 =	vadd.s32 v3, v4;
	v4 =	vshll.u32 v8, $0x3  }
0x4d: {  	v8 =	vld [tilespmem:s6+$0x1800];
	v3 =	vshll.u32 v3, $0x4;
	v4 =	vadd.s32 v6, v4;
	v6 =	vshll.u32 v10, $0x1  }
0x4e: {  	v3 =	vadd.s32 v4, v3;
	v4 =	vadd.s32 v6, v11;
	v6 =	vld [tilespmem:s6+$0x1A00]  }
0x4f: {  	v1 =	vshll.u32 v1, $0x3;
	v3 =	vadd.s32 v3, v4;
	v4 =	vshll.u32 v9, $0x2;
	v9 =	vld [tilespmem:s6+$0x1C00]  }
0x50: {  	v3 =	vshll.u32 v3, $0x4;
	v1 =	vadd.s32 v4, v1;
	v4 =	vshll.u32 v5, $0x1;
	v5 =	vld [tilespmem:s6+$0x2000]  }
0x51: {  	v1 =	vadd.s32 v1, v3;
	v3 =	vadd.s32 v4, v7;
	v4 =	vld [tilespmem:s6+$0x2200]  }
0x52: {  	v0 =	vshll.u32 v0, $0x3;
	v7 =	vld [tilespmem:s6+$0x2400];
	v1 =	vadd.s32 v1, v3;
	v3 =	vshll.u32 v8, $0x2  }
0x53: {  	v1 =	vshll.u32 v1, $0x4;
	v0 =	vadd.s32 v3, v0;
	v3 =	vshll.u32 v6, $0x1  }
0x54: {  	v0 =	vadd.s32 v0, v1;
	v1 =	vadd.s32 v3, v9  }
0x55: {  	v3 =	vld [tilespmem:s6+$0x2600];
	v0 =	vadd.s32 v0, v1;
	v1 =	vshll.u32 v2, $0x3;
	v2 =	vshll.u32 v5, $0x2  }
0x56: {  	v0 =	vshll.u32 v0, $0x4;
	v1 =	vadd.s32 v2, v1;
	v2 =	vshll.u32 v4, $0x1  }
0x57: {  	v0 =	vadd.s32 v1, v0;
	v1 =	vadd.s32 v2, v7  }
0x58: {  	v0 =	vadd.s32 v0, v1  }
0x59: {  	v0 =	vshll.u32 v0, $0x1  }
0x5a: {  	v0 =	vadd.s32 v3, v0  }
0x5b: {  	v1 =	vshll.u32 v0, $0x3  }
0x5c: {  	v0 =	vand.u32 $0x7F, v0;
	v1 =	vand.u32 $0xFFFFFC00, v1  }
0x5d: {  	v0 =	vor.u32 v0, v1  }
0x5e: {  	[tilespmem:s6+$0x2800] =	vst v0  }
0x5f: {  	v6 =	vld [tilespmem:$0x2800]  }
0x60: {  	v7 =	vld [tilespmem:$0x2870]  }
0x61: {  	v2 =	vld [tilespmem:$0x2810]  }
0x62: {  	s8 =	simm.s32 $0x0;
	v1 =	vld [tilespmem:$0x2840]  }
0x63: {  	s7 =	sand.u32 $0x1800000, s8;
	s6 =	sand.u32 $0x380, s8;
	v3 =	vld [tilespmem:$0x2820]  }
0x64: {  	v0 =	vld [tilespmem:$0x2830];
	s8 =	sor.u32 s6, s7  }
0x65: {  	v4 =	vld [tilespmem:$0x2850];
	s6 =	simm.s32 $0x2A40;
	v8 =	vadd.s32 s8, v7  }
0x66: {  	v5 =	vld [tilespmem:$0x2860];
	v9 =	vadd.s32 s8, v6;
	[tilespmem:s6+$0x30] =	vst v8  }
0x67: {  	v10 =	vadd.s32 s8, v1;
	[tilespmem:s6+$0xFFFFFFC0] =	vst v9  }
0x68: {  	v8 =	vadd.s32 s8, v2;
	[tilespmem:s6+$0x0] =	vst v10  }
0x69: {  	v9 =	vadd.s32 s8, v3;
	[tilespmem:s6+$0xFFFFFFD0] =	vst v8  }
0x6a: {  	s28 =	simm.s32 $0x100000;
	s7 =	simm.s32 $0x80;
	v8 =	vadd.s32 s8, v0;
	[tilespmem:s6+$0xFFFFFFE0] =	vst v9  }
0x6b: {  	s30 =	sand.u32 $0x1800000, s28;
	s28 =	simm.s32 $0x200000;
	v9 =	vadd.s32 s8, v4;
	[tilespmem:s6+$0xFFFFFFF0] =	vst v8;
	v8 =	vadd.s32 s8, v5;
	s8 =	sand.u32 $0x380, s7  }
.LBB2_4:
0x6c: {  	p0 =	sne.s32 s28, $0x1F00000;
	s8 =	sor.u32 s8, s30;
	[tilespmem:s6+$0x10] =	vst v9  }
0x6d: {  	v9 =	vadd.s32 s8, v6;
	v10 =	vadd.s32 s8, v2;
	v11 =	vadd.s32 s8, v7;
	[tilespmem:s6+$0x20] =	vst v8;
	s6 =	sadd.s32 $0x80, s6  }
0x6e: {  	v12 =	vadd.s32 s8, v3;
	v13 =	vadd.s32 s8, v0;
	v14 =	vadd.s32 s8, v1;
	[tilespmem:s6+$0x30] =	vst v11  }
.Ltmp1:
0x6f: {  	v8 =	vadd.s32 s8, v5;
	[tilespmem:s6+$0xFFFFFFC0] =	vst v9;
	v9 =	vadd.s32 s8, v4;
	(pc) =	sbr.rel @p0 .LBB2_4-.Ltmp1, $4  }
0x70: {  	[tilespmem:s6+$0xFFFFFFD0] =	vst v10  }
0x71: {  	[tilespmem:s6+$0xFFFFFFE0] =	vst v12  }
0x72: {  	s7 =	sadd.s32 $0x80, s7;
	[tilespmem:s6+$0xFFFFFFF0] =	vst v13  }
0x73: {  	s30 =	sand.u32 $0x1800000, s28;
	s28 =	sadd.s32 $0x100000, s28;
	s8 =	sand.u32 $0x380, s7;
	[tilespmem:s6+$0x0] =	vst v14  }
0x74: {  	s7 =	sor.u32 s8, s30;
	[tilespmem:s6+$0x10] =	vst v9  }
0x75: {  	[tilespmem:s6+$0x20] =	vst v8;
	s30 =	sadd.s32 $0x80, s6;
	v7 =	vadd.s32 s7, v7  }
0x76: {  	v6 =	vadd.s32 s7, v6;
	[tilespmem:s30+$0x30] =	vst v7  }
0x77: {  	v2 =	vadd.s32 s7, v2;
	[tilespmem:s30+$0xFFFFFFC0] =	vst v6  }
0x78: {  	v3 =	vadd.s32 s7, v3;
	[tilespmem:s30+$0xFFFFFFD0] =	vst v2  }
0x79: {  	v0 =	vadd.s32 s7, v0;
	[tilespmem:s30+$0xFFFFFFE0] =	vst v3  }
0x7a: {  	v1 =	vadd.s32 s7, v1;
	[tilespmem:s30+$0xFFFFFFF0] =	vst v0  }
0x7b: {  	v0 =	vadd.s32 s7, v4;
	[tilespmem:s30+$0x0] =	vst v1  }
0x7c: {  	v1 =	vadd.s32 s7, v5;
	[tilespmem:s30+$0x10] =	vst v0  }
0x7d: {  	s8 =	simm.s32 $0x2A00;
	s28 =	simm.s32 $0x0;
	[tilespmem:s30+$0x20] =	vst v1;
	s30 =	simm.s32 $0x6A00  }
0x7e: {  	[tilespmem:s30], [sflag:$0x2] =	stream.indirect.gather [hbm4b:s1+s25], $0x1, s8, s25, $0xb8;
	[tilespmem:$0xAA00] =	vst v63  }
0x7f: {  	v1 =	vld [tilespmem:s28+$0x1E80]  }
0x80: {  	v0 =	vld [tilespmem:s28+$0x1680]  }
0x81: {  	v2 =	vld [tilespmem:s28+$0xE80]  }
0x82: {  	v3 =	vld [tilespmem:s28+$0x480]  }
0x83: {  	v4 =	vld [tilespmem:s28+$0x80]  }
0x84: {  	v5 =	vld [tilespmem:s28+$0x280]  }
0x85: {  	v6 =	vld [tilespmem:s28+$0x680]  }
0x86: {  	v7 =	vld [tilespmem:s28+$0x880]  }
0x87: {  	v8 =	vld [tilespmem:s28+$0xA80]  }
0x88: {  	v9 =	vld [tilespmem:s28+$0xC80]  }
0x89: {  	v10 =	vld [tilespmem:s28+$0x1080];
	v4 =	vshll.u32 v4, $0x2;
	v5 =	vshll.u32 v5, $0x1  }
0x8a: {  	v4 =	vadd.s32 v4, v5;
	v5 =	vld [tilespmem:s28+$0x1280]  }
0x8b: {  	v3 =	vadd.s32 v3, v4;
	v4 =	vshll.u32 v6, $0x3;
	v6 =	vshll.u32 v7, $0x2;
	v7 =	vld [tilespmem:s28+$0x1480]  }
0x8c: {  	v3 =	vshll.u32 v3, $0x4;
	v4 =	vadd.s32 v6, v4;
	v6 =	vshll.u32 v8, $0x1;
	v8 =	vld [tilespmem:s28+$0x1880]  }
0x8d: {  	v3 =	vadd.s32 v4, v3;
	v4 =	vadd.s32 v6, v9;
	v6 =	vld [tilespmem:s28+$0x1A80]  }
0x8e: {  	v61 =	vld [tilespmem:s28+$0x1C80];
	v2 =	vshll.u32 v2, $0x3;
	v3 =	vadd.s32 v3, v4;
	v4 =	vshll.u32 v10, $0x2  }
0x8f: {  	v3 =	vshll.u32 v3, $0x4;
	v2 =	vadd.s32 v4, v2;
	v4 =	vshll.u32 v5, $0x1;
	v5 =	vld [tilespmem:s28+$0x2080]  }
0x90: {  	v2 =	vadd.s32 v2, v3;
	v3 =	vadd.s32 v4, v7;
	v7 =	vld [tilespmem:s28+$0x2280]  }
0x91: {  	v0 =	vshll.u32 v0, $0x3;
	v2 =	vadd.s32 v2, v3;
	v3 =	vshll.u32 v8, $0x2;
	v8 =	vld [tilespmem:s28+$0x2480]  }
0x92: {  	s6 =	simm.s32 $0x10;
	v4 =	vld [tilespmem:s28+$0x2680];
	v62 =	vshll.u32 v2, $0x4;
	v0 =	vadd.s32 v3, v0;
	v3 =	vshll.u32 v6, $0x1  }
0x93: {  	v2 =	vld [tilespmem:s6+$0x1E80];
	v6 =	vadd.s32 v0, v62;
	v3 =	vadd.s32 v3, v61  }
0x94: {  	v0 =	vld [tilespmem:s6+$0x1680];
	v3 =	vadd.s32 v6, v3;
	v6 =	vshll.u32 v1, $0x3;
	v5 =	vshll.u32 v5, $0x2  }
0x95: {  	v1 =	vld [tilespmem:s6+$0xE80];
	v63 =	vshll.u32 v3, $0x4;
	v5 =	vadd.s32 v5, v6;
	v6 =	vshll.u32 v7, $0x1  }
0x96: {  	v3 =	vld [tilespmem:s6+$0x480];
	v7 =	vadd.s32 v5, v63;
	v6 =	vadd.s32 v6, v8  }
0x97: {  	s7 =	simm.s32 $0x80;
	v5 =	vld [tilespmem:s6+$0x80];
	v6 =	vadd.s32 v7, v6  }
.LBB2_6:
0x98: {  	p0 =	sne.s32 s7, $0x1C0;
	v7 =	vld [tilespmem:s6+$0x280];
	v6 =	vshll.u32 v6, $0x1;
	v8 =	vmov v2  }
0x99: {  	v2 =	vld [tilespmem:s6+$0x680];
	v4 =	vadd.s32 v4, v6  }
0x9a: {  	v6 =	vld [tilespmem:s6+$0x880];
	v9 =	vshll.u32 v4, $0x3  }
0x9b: {  	v4 =	vand.u32 $0x7F, v4;
	v10 =	vld [tilespmem:s6+$0xA80];
	v9 =	vand.u32 $0xFFFFFC00, v9  }
0x9c: {  	v11 =	vld [tilespmem:s6+$0xC80];
	v4 =	vor.u32 v4, v9  }
0x9d: {  	v5 =	vshll.u32 v5, $0x2;
	v7 =	vshll.u32 v7, $0x1;
	v9 =	vld [tilespmem:s6+$0x1080];
	[tilespmem:s28+$0x2880] =	vst v4;
	s28 =	smov.u32 s6  }
0x9e: {  	v4 =	vadd.s32 v5, v7;
	v5 =	vld [tilespmem:s28+$0x1280]  }
0x9f: {  	v2 =	vshll.u32 v2, $0x3;
	v3 =	vadd.s32 v3, v4;
	v4 =	vshll.u32 v6, $0x2;
	v6 =	vld [tilespmem:s28+$0x1480]  }
0xa0: {  	v3 =	vshll.u32 v3, $0x4;
	v2 =	vadd.s32 v4, v2;
	v4 =	vshll.u32 v10, $0x1;
	v7 =	vld [tilespmem:s28+$0x1880]  }
0xa1: {  	v2 =	vadd.s32 v2, v3;
	v3 =	vadd.s32 v4, v11;
	v4 =	vld [tilespmem:s28+$0x1A80]  }
0xa2: {  	v1 =	vshll.u32 v1, $0x3;
	v2 =	vadd.s32 v2, v3;
	v3 =	vshll.u32 v9, $0x2;
	v9 =	vld [tilespmem:s28+$0x1C80]  }
0xa3: {  	v2 =	vshll.u32 v2, $0x4;
	v1 =	vadd.s32 v3, v1;
	v3 =	vshll.u32 v5, $0x1;
	v5 =	vld [tilespmem:s28+$0x2080]  }
0xa4: {  	v1 =	vadd.s32 v1, v2;
	v2 =	vadd.s32 v3, v6;
	v3 =	vld [tilespmem:s28+$0x2280]  }
0xa5: {  	v0 =	vshll.u32 v0, $0x3;
	v1 =	vadd.s32 v1, v2;
	v2 =	vshll.u32 v7, $0x2;
	v6 =	vld [tilespmem:s28+$0x2480]  }
0xa6: {  	s6 =	sshra.s32 s7, $0x2;
	v1 =	vshll.u32 v1, $0x4;
	v0 =	vadd.s32 v2, v0;
	v7 =	vshll.u32 v4, $0x1;
	v4 =	vld [tilespmem:s28+$0x2680]  }
.Ltmp2:
0xa7: {  	v2 =	vld [tilespmem:s6+$0x1E80];
	v1 =	vadd.s32 v0, v1;
	v7 =	vadd.s32 v7, v9;
	(pc) =	sbr.rel @p0 .LBB2_6-.Ltmp2, $4  }
0xa8: {  	v8 =	vshll.u32 v8, $0x3;
	v0 =	vld [tilespmem:s6+$0x1680];
	v7 =	vadd.s32 v1, v7;
	v5 =	vshll.u32 v5, $0x2  }
0xa9: {  	v1 =	vld [tilespmem:s6+$0xE80];
	v7 =	vshll.u32 v7, $0x4;
	v5 =	vadd.s32 v5, v8;
	v8 =	vshll.u32 v3, $0x1  }
0xaa: {  	v3 =	vld [tilespmem:s6+$0x480];
	v7 =	vadd.s32 v5, v7;
	v6 =	vadd.s32 v8, v6  }
0xab: {  	s7 =	sadd.s32 $0x40, s7;
	v5 =	vld [tilespmem:s6+$0x80];
	v6 =	vadd.s32 v7, v6  }
0xac: {  	v7 =	vld [tilespmem:s6+$0x280];
	v6 =	vshll.u32 v6, $0x1  }
0xad: {  	v8 =	vld [tilespmem:s6+$0x680];
	v4 =	vadd.s32 v4, v6  }
0xae: {  	v6 =	vld [tilespmem:s6+$0x880];
	v9 =	vshll.u32 v4, $0x3  }
0xaf: {  	v10 =	vld [tilespmem:s6+$0xA80];
	v4 =	vand.u32 $0x7F, v4;
	v9 =	vand.u32 $0xFFFFFC00, v9  }
0xb0: {  	v11 =	vld [tilespmem:s6+$0xC80];
	v4 =	vor.u32 v4, v9  }
0xb1: {  	v9 =	vld [tilespmem:s6+$0x1080];
	v5 =	vshll.u32 v5, $0x2;
	v7 =	vshll.u32 v7, $0x1;
	[tilespmem:s28+$0x2880] =	vst v4  }
0xb2: {  	v4 =	vadd.s32 v5, v7;
	v5 =	vld [tilespmem:s6+$0x1280]  }
0xb3: {  	v6 =	vshll.u32 v6, $0x2;
	v7 =	vld [tilespmem:s6+$0x1480];
	v3 =	vadd.s32 v3, v4;
	v4 =	vshll.u32 v8, $0x3  }
0xb4: {  	v8 =	vld [tilespmem:s6+$0x1880];
	v3 =	vshll.u32 v3, $0x4;
	v4 =	vadd.s32 v6, v4;
	v6 =	vshll.u32 v10, $0x1  }
0xb5: {  	v3 =	vadd.s32 v4, v3;
	v4 =	vadd.s32 v6, v11;
	v6 =	vld [tilespmem:s6+$0x1A80]  }
0xb6: {  	v1 =	vshll.u32 v1, $0x3;
	v3 =	vadd.s32 v3, v4;
	v4 =	vshll.u32 v9, $0x2;
	v9 =	vld [tilespmem:s6+$0x1C80]  }
0xb7: {  	v3 =	vshll.u32 v3, $0x4;
	v1 =	vadd.s32 v4, v1;
	v4 =	vshll.u32 v5, $0x1;
	v5 =	vld [tilespmem:s6+$0x2080]  }
0xb8: {  	v1 =	vadd.s32 v1, v3;
	v3 =	vadd.s32 v4, v7;
	v4 =	vld [tilespmem:s6+$0x2280]  }
0xb9: {  	v0 =	vshll.u32 v0, $0x3;
	v7 =	vld [tilespmem:s6+$0x2480];
	v1 =	vadd.s32 v1, v3;
	v3 =	vshll.u32 v8, $0x2  }
0xba: {  	v1 =	vshll.u32 v1, $0x4;
	v0 =	vadd.s32 v3, v0;
	v3 =	vshll.u32 v6, $0x1  }
0xbb: {  	v0 =	vadd.s32 v0, v1;
	v1 =	vadd.s32 v3, v9  }
0xbc: {  	v3 =	vld [tilespmem:s6+$0x2680];
	v0 =	vadd.s32 v0, v1;
	v1 =	vshll.u32 v2, $0x3;
	v2 =	vshll.u32 v5, $0x2  }
0xbd: {  	v0 =	vshll.u32 v0, $0x4;
	v1 =	vadd.s32 v2, v1;
	v2 =	vshll.u32 v4, $0x1  }
0xbe: {  	v0 =	vadd.s32 v1, v0;
	v1 =	vadd.s32 v2, v7  }
0xbf: {  	v0 =	vadd.s32 v0, v1  }
0xc0: {  	v0 =	vshll.u32 v0, $0x1  }
0xc1: {  	v0 =	vadd.s32 v3, v0  }
0xc2: {  	v1 =	vshll.u32 v0, $0x3  }
0xc3: {  	v0 =	vand.u32 $0x7F, v0;
	v1 =	vand.u32 $0xFFFFFC00, v1  }
0xc4: {  	v0 =	vor.u32 v0, v1  }
0xc5: {  	[tilespmem:s6+$0x2880] =	vst v0  }
0xc6: {  	v6 =	vld [tilespmem:$0x2880]  }
0xc7: {  	v7 =	vld [tilespmem:$0x28F0]  }
0xc8: {  	v2 =	vld [tilespmem:$0x2890]  }
0xc9: {  	s8 =	simm.s32 $0x0;
	v1 =	vld [tilespmem:$0x28C0]  }
0xca: {  	s7 =	sand.u32 $0x1800000, s8;
	s6 =	sand.u32 $0x380, s8;
	v3 =	vld [tilespmem:$0x28A0]  }
0xcb: {  	v0 =	vld [tilespmem:$0x28B0];
	s8 =	sor.u32 s6, s7  }
0xcc: {  	v4 =	vld [tilespmem:$0x28D0];
	s6 =	simm.s32 $0x3A70;
	v8 =	vadd.s32 s8, v7  }
0xcd: {  	v5 =	vld [tilespmem:$0x28E0];
	v9 =	vadd.s32 s8, v6;
	[tilespmem:s6+$0x0] =	vst v8  }
0xce: {  	v10 =	vadd.s32 s8, v1;
	[tilespmem:s6+$0xFFFFFF90] =	vst v9  }
0xcf: {  	v8 =	vadd.s32 s8, v2;
	[tilespmem:s6+$0xFFFFFFD0] =	vst v10  }
0xd0: {  	v9 =	vadd.s32 s8, v3;
	[tilespmem:s6+$0xFFFFFFA0] =	vst v8  }
0xd1: {  	s28 =	simm.s32 $0x100000;
	s7 =	simm.s32 $0x80;
	v8 =	vadd.s32 s8, v0;
	[tilespmem:s6+$0xFFFFFFB0] =	vst v9  }
0xd2: {  	s30 =	sand.u32 $0x1800000, s28;
	s28 =	simm.s32 $0x200000;
	v9 =	vadd.s32 s8, v4;
	[tilespmem:s6+$0xFFFFFFC0] =	vst v8;
	v8 =	vadd.s32 s8, v5;
	s8 =	sand.u32 $0x380, s7  }
.LBB2_8:
0xd3: {  	p0 =	sne.s32 s28, $0x1F00000;
	s8 =	sor.u32 s8, s30;
	[tilespmem:s6+$0xFFFFFFE0] =	vst v9  }
0xd4: {  	v9 =	vadd.s32 s8, v6;
	v10 =	vadd.s32 s8, v2;
	v11 =	vadd.s32 s8, v7;
	[tilespmem:s6+$0xFFFFFFF0] =	vst v8;
	s6 =	sadd.s32 $0x80, s6  }
0xd5: {  	v12 =	vadd.s32 s8, v3;
	v13 =	vadd.s32 s8, v0;
	v14 =	vadd.s32 s8, v1;
	[tilespmem:s6+$0x0] =	vst v11  }
.Ltmp3:
0xd6: {  	v8 =	vadd.s32 s8, v5;
	[tilespmem:s6+$0xFFFFFF90] =	vst v9;
	v9 =	vadd.s32 s8, v4;
	(pc) =	sbr.rel @p0 .LBB2_8-.Ltmp3, $4  }
0xd7: {  	[tilespmem:s6+$0xFFFFFFA0] =	vst v10  }
0xd8: {  	[tilespmem:s6+$0xFFFFFFB0] =	vst v12  }
0xd9: {  	s7 =	sadd.s32 $0x80, s7;
	[tilespmem:s6+$0xFFFFFFC0] =	vst v13  }
0xda: {  	s30 =	sand.u32 $0x1800000, s28;
	s28 =	sadd.s32 $0x100000, s28;
	s8 =	sand.u32 $0x380, s7;
	[tilespmem:s6+$0xFFFFFFD0] =	vst v14  }
0xdb: {  	s7 =	sor.u32 s8, s30;
	[tilespmem:s6+$0xFFFFFFE0] =	vst v9  }
0xdc: {  	[tilespmem:s6+$0xFFFFFFF0] =	vst v8;
	s30 =	sadd.s32 $0x80, s6;
	v7 =	vadd.s32 s7, v7  }
0xdd: {  	v6 =	vadd.s32 s7, v6;
	[tilespmem:s30+$0x0] =	vst v7  }
0xde: {  	v2 =	vadd.s32 s7, v2;
	[tilespmem:s30+$0xFFFFFF90] =	vst v6  }
0xdf: {  	v3 =	vadd.s32 s7, v3;
	[tilespmem:s30+$0xFFFFFFA0] =	vst v2  }
0xe0: {  	v0 =	vadd.s32 s7, v0;
	[tilespmem:s30+$0xFFFFFFB0] =	vst v3  }
0xe1: {  	v1 =	vadd.s32 s7, v1;
	[tilespmem:s30+$0xFFFFFFC0] =	vst v0  }
0xe2: {  	v0 =	vadd.s32 s7, v4;
	[tilespmem:s30+$0xFFFFFFD0] =	vst v1  }
0xe3: {  	v1 =	vadd.s32 s7, v5;
	[tilespmem:s30+$0xFFFFFFE0] =	vst v0  }
0xe4: {  	s8 =	simm.s32 $0x3A00;
	s28 =	simm.s32 $0x0;
	[tilespmem:s30+$0xFFFFFFF0] =	vst v1;
	s30 =	simm.s32 $0x7A00  }
0xe5: {  	[tilespmem:s30], [sflag:$0x3] =	stream.indirect.gather [hbm4b:s1+s25], $0x1, s8, s25, $0xb8;
	[tilespmem:$0xAA00] =	vst v63  }
0xe6: {  	v1 =	vld [tilespmem:s28+$0x1F00]  }
0xe7: {  	v0 =	vld [tilespmem:s28+$0x1700]  }
0xe8: {  	v2 =	vld [tilespmem:s28+$0xF00]  }
0xe9: {  	v3 =	vld [tilespmem:s28+$0x500]  }
0xea: {  	v4 =	vld [tilespmem:s28+$0x100]  }
0xeb: {  	v5 =	vld [tilespmem:s28+$0x300]  }
0xec: {  	v6 =	vld [tilespmem:s28+$0x700]  }
0xed: {  	v7 =	vld [tilespmem:s28+$0x900]  }
0xee: {  	v8 =	vld [tilespmem:s28+$0xB00]  }
0xef: {  	v9 =	vld [tilespmem:s28+$0xD00]  }
0xf0: {  	v10 =	vld [tilespmem:s28+$0x1100];
	v4 =	vshll.u32 v4, $0x2;
	v5 =	vshll.u32 v5, $0x1  }
0xf1: {  	v4 =	vadd.s32 v4, v5;
	v5 =	vld [tilespmem:s28+$0x1300]  }
0xf2: {  	v3 =	vadd.s32 v3, v4;
	v4 =	vshll.u32 v6, $0x3;
	v6 =	vshll.u32 v7, $0x2;
	v7 =	vld [tilespmem:s28+$0x1500]  }
0xf3: {  	v3 =	vshll.u32 v3, $0x4;
	v4 =	vadd.s32 v6, v4;
	v6 =	vshll.u32 v8, $0x1;
	v8 =	vld [tilespmem:s28+$0x1900]  }
0xf4: {  	v3 =	vadd.s32 v4, v3;
	v4 =	vadd.s32 v6, v9;
	v6 =	vld [tilespmem:s28+$0x1B00]  }
0xf5: {  	v61 =	vld [tilespmem:s28+$0x1D00];
	v2 =	vshll.u32 v2, $0x3;
	v3 =	vadd.s32 v3, v4;
	v4 =	vshll.u32 v10, $0x2  }
0xf6: {  	v3 =	vshll.u32 v3, $0x4;
	v2 =	vadd.s32 v4, v2;
	v4 =	vshll.u32 v5, $0x1;
	v5 =	vld [tilespmem:s28+$0x2100]  }
0xf7: {  	v2 =	vadd.s32 v2, v3;
	v3 =	vadd.s32 v4, v7;
	v7 =	vld [tilespmem:s28+$0x2300]  }
0xf8: {  	v0 =	vshll.u32 v0, $0x3;
	v2 =	vadd.s32 v2, v3;
	v3 =	vshll.u32 v8, $0x2;
	v8 =	vld [tilespmem:s28+$0x2500]  }
0xf9: {  	s6 =	simm.s32 $0x10;
	v4 =	vld [tilespmem:s28+$0x2700];
	v62 =	vshll.u32 v2, $0x4;
	v0 =	vadd.s32 v3, v0;
	v3 =	vshll.u32 v6, $0x1  }
0xfa: {  	v2 =	vld [tilespmem:s6+$0x1F00];
	v6 =	vadd.s32 v0, v62;
	v3 =	vadd.s32 v3, v61  }
0xfb: {  	v0 =	vld [tilespmem:s6+$0x1700];
	v3 =	vadd.s32 v6, v3;
	v6 =	vshll.u32 v1, $0x3;
	v5 =	vshll.u32 v5, $0x2  }
0xfc: {  	v1 =	vld [tilespmem:s6+$0xF00];
	v63 =	vshll.u32 v3, $0x4;
	v5 =	vadd.s32 v5, v6;
	v6 =	vshll.u32 v7, $0x1  }
0xfd: {  	v3 =	vld [tilespmem:s6+$0x500];
	v7 =	vadd.s32 v5, v63;
	v6 =	vadd.s32 v6, v8  }
0xfe: {  	s7 =	simm.s32 $0x80;
	v5 =	vld [tilespmem:s6+$0x100];
	v6 =	vadd.s32 v7, v6  }
.LBB2_10:
0xff: {  	p0 =	sne.s32 s7, $0x1C0;
	v7 =	vld [tilespmem:s6+$0x300];
	v6 =	vshll.u32 v6, $0x1;
	v8 =	vmov v2  }
0x100: {  	v2 =	vld [tilespmem:s6+$0x700];
	v4 =	vadd.s32 v4, v6  }
0x101: {  	v6 =	vld [tilespmem:s6+$0x900];
	v9 =	vshll.u32 v4, $0x3  }
0x102: {  	v4 =	vand.u32 $0x7F, v4;
	v10 =	vld [tilespmem:s6+$0xB00];
	v9 =	vand.u32 $0xFFFFFC00, v9  }
0x103: {  	v11 =	vld [tilespmem:s6+$0xD00];
	v4 =	vor.u32 v4, v9  }
0x104: {  	v5 =	vshll.u32 v5, $0x2;
	v7 =	vshll.u32 v7, $0x1;
	v9 =	vld [tilespmem:s6+$0x1100];
	[tilespmem:s28+$0x2900] =	vst v4;
	s28 =	smov.u32 s6  }
0x105: {  	v4 =	vadd.s32 v5, v7;
	v5 =	vld [tilespmem:s28+$0x1300]  }
0x106: {  	v2 =	vshll.u32 v2, $0x3;
	v3 =	vadd.s32 v3, v4;
	v4 =	vshll.u32 v6, $0x2;
	v6 =	vld [tilespmem:s28+$0x1500]  }
0x107: {  	v3 =	vshll.u32 v3, $0x4;
	v2 =	vadd.s32 v4, v2;
	v4 =	vshll.u32 v10, $0x1;
	v7 =	vld [tilespmem:s28+$0x1900]  }
0x108: {  	v2 =	vadd.s32 v2, v3;
	v3 =	vadd.s32 v4, v11;
	v4 =	vld [tilespmem:s28+$0x1B00]  }
0x109: {  	v1 =	vshll.u32 v1, $0x3;
	v2 =	vadd.s32 v2, v3;
	v3 =	vshll.u32 v9, $0x2;
	v9 =	vld [tilespmem:s28+$0x1D00]  }
0x10a: {  	v2 =	vshll.u32 v2, $0x4;
	v1 =	vadd.s32 v3, v1;
	v3 =	vshll.u32 v5, $0x1;
	v5 =	vld [tilespmem:s28+$0x2100]  }
0x10b: {  	v1 =	vadd.s32 v1, v2;
	v2 =	vadd.s32 v3, v6;
	v3 =	vld [tilespmem:s28+$0x2300]  }
0x10c: {  	v0 =	vshll.u32 v0, $0x3;
	v1 =	vadd.s32 v1, v2;
	v2 =	vshll.u32 v7, $0x2;
	v6 =	vld [tilespmem:s28+$0x2500]  }
0x10d: {  	s6 =	sshra.s32 s7, $0x2;
	v1 =	vshll.u32 v1, $0x4;
	v0 =	vadd.s32 v2, v0;
	v7 =	vshll.u32 v4, $0x1;
	v4 =	vld [tilespmem:s28+$0x2700]  }
.Ltmp4:
0x10e: {  	v2 =	vld [tilespmem:s6+$0x1F00];
	v1 =	vadd.s32 v0, v1;
	v7 =	vadd.s32 v7, v9;
	(pc) =	sbr.rel @p0 .LBB2_10-.Ltmp4, $4  }
0x10f: {  	v8 =	vshll.u32 v8, $0x3;
	v0 =	vld [tilespmem:s6+$0x1700];
	v7 =	vadd.s32 v1, v7;
	v5 =	vshll.u32 v5, $0x2  }
0x110: {  	v1 =	vld [tilespmem:s6+$0xF00];
	v7 =	vshll.u32 v7, $0x4;
	v5 =	vadd.s32 v5, v8;
	v8 =	vshll.u32 v3, $0x1  }
0x111: {  	v3 =	vld [tilespmem:s6+$0x500];
	v7 =	vadd.s32 v5, v7;
	v6 =	vadd.s32 v8, v6  }
0x112: {  	s7 =	sadd.s32 $0x40, s7;
	v5 =	vld [tilespmem:s6+$0x100];
	v6 =	vadd.s32 v7, v6  }
0x113: {  	v7 =	vld [tilespmem:s6+$0x300];
	v6 =	vshll.u32 v6, $0x1  }
0x114: {  	v8 =	vld [tilespmem:s6+$0x700];
	v4 =	vadd.s32 v4, v6  }
0x115: {  	v6 =	vld [tilespmem:s6+$0x900];
	v9 =	vshll.u32 v4, $0x3  }
0x116: {  	v10 =	vld [tilespmem:s6+$0xB00];
	v4 =	vand.u32 $0x7F, v4;
	v9 =	vand.u32 $0xFFFFFC00, v9  }
0x117: {  	v11 =	vld [tilespmem:s6+$0xD00];
	v4 =	vor.u32 v4, v9  }
0x118: {  	v9 =	vld [tilespmem:s6+$0x1100];
	v5 =	vshll.u32 v5, $0x2;
	v7 =	vshll.u32 v7, $0x1;
	[tilespmem:s28+$0x2900] =	vst v4  }
0x119: {  	v4 =	vadd.s32 v5, v7;
	v5 =	vld [tilespmem:s6+$0x1300]  }
0x11a: {  	v6 =	vshll.u32 v6, $0x2;
	v7 =	vld [tilespmem:s6+$0x1500];
	v3 =	vadd.s32 v3, v4;
	v4 =	vshll.u32 v8, $0x3  }
0x11b: {  	v8 =	vld [tilespmem:s6+$0x1900];
	v3 =	vshll.u32 v3, $0x4;
	v4 =	vadd.s32 v6, v4;
	v6 =	vshll.u32 v10, $0x1  }
0x11c: {  	v3 =	vadd.s32 v4, v3;
	v4 =	vadd.s32 v6, v11;
	v6 =	vld [tilespmem:s6+$0x1B00]  }
0x11d: {  	v1 =	vshll.u32 v1, $0x3;
	v3 =	vadd.s32 v3, v4;
	v4 =	vshll.u32 v9, $0x2;
	v9 =	vld [tilespmem:s6+$0x1D00]  }
0x11e: {  	v3 =	vshll.u32 v3, $0x4;
	v1 =	vadd.s32 v4, v1;
	v4 =	vshll.u32 v5, $0x1;
	v5 =	vld [tilespmem:s6+$0x2100]  }
0x11f: {  	v1 =	vadd.s32 v1, v3;
	v3 =	vadd.s32 v4, v7;
	v4 =	vld [tilespmem:s6+$0x2300]  }
0x120: {  	v0 =	vshll.u32 v0, $0x3;
	v7 =	vld [tilespmem:s6+$0x2500];
	v1 =	vadd.s32 v1, v3;
	v3 =	vshll.u32 v8, $0x2  }
0x121: {  	v1 =	vshll.u32 v1, $0x4;
	v0 =	vadd.s32 v3, v0;
	v3 =	vshll.u32 v6, $0x1  }
0x122: {  	v0 =	vadd.s32 v0, v1;
	v1 =	vadd.s32 v3, v9  }
0x123: {  	v3 =	vld [tilespmem:s6+$0x2700];
	v0 =	vadd.s32 v0, v1;
	v1 =	vshll.u32 v2, $0x3;
	v2 =	vshll.u32 v5, $0x2  }
0x124: {  	v0 =	vshll.u32 v0, $0x4;
	v1 =	vadd.s32 v2, v1;
	v2 =	vshll.u32 v4, $0x1  }
0x125: {  	v0 =	vadd.s32 v1, v0;
	v1 =	vadd.s32 v2, v7  }
0x126: {  	v0 =	vadd.s32 v0, v1  }
0x127: {  	v0 =	vshll.u32 v0, $0x1  }
0x128: {  	v0 =	vadd.s32 v3, v0  }
0x129: {  	v1 =	vshll.u32 v0, $0x3  }
0x12a: {  	v0 =	vand.u32 $0x7F, v0;
	v1 =	vand.u32 $0xFFFFFC00, v1  }
0x12b: {  	v0 =	vor.u32 v0, v1  }
0x12c: {  	[tilespmem:s6+$0x2900] =	vst v0  }
0x12d: {  	v6 =	vld [tilespmem:$0x2900]  }
0x12e: {  	v7 =	vld [tilespmem:$0x2970]  }
0x12f: {  	v2 =	vld [tilespmem:$0x2910]  }
0x130: {  	s8 =	simm.s32 $0x0;
	v1 =	vld [tilespmem:$0x2940]  }
0x131: {  	s7 =	sand.u32 $0x1800000, s8;
	s6 =	sand.u32 $0x380, s8;
	v3 =	vld [tilespmem:$0x2920]  }
0x132: {  	v0 =	vld [tilespmem:$0x2930];
	s8 =	sor.u32 s6, s7  }
0x133: {  	v4 =	vld [tilespmem:$0x2950];
	s6 =	simm.s32 $0x4A70;
	v8 =	vadd.s32 s8, v7  }
0x134: {  	v5 =	vld [tilespmem:$0x2960];
	v9 =	vadd.s32 s8, v6;
	[tilespmem:s6+$0x0] =	vst v8  }
0x135: {  	v10 =	vadd.s32 s8, v1;
	[tilespmem:s6+$0xFFFFFF90] =	vst v9  }
0x136: {  	v8 =	vadd.s32 s8, v2;
	[tilespmem:s6+$0xFFFFFFD0] =	vst v10  }
0x137: {  	v9 =	vadd.s32 s8, v3;
	[tilespmem:s6+$0xFFFFFFA0] =	vst v8  }
0x138: {  	s28 =	simm.s32 $0x100000;
	s7 =	simm.s32 $0x80;
	v8 =	vadd.s32 s8, v0;
	[tilespmem:s6+$0xFFFFFFB0] =	vst v9  }
0x139: {  	s30 =	sand.u32 $0x1800000, s28;
	s28 =	simm.s32 $0x200000;
	v9 =	vadd.s32 s8, v4;
	[tilespmem:s6+$0xFFFFFFC0] =	vst v8;
	v8 =	vadd.s32 s8, v5;
	s8 =	sand.u32 $0x380, s7  }
.LBB2_12:
0x13a: {  	p0 =	sne.s32 s28, $0x1F00000;
	s8 =	sor.u32 s8, s30;
	[tilespmem:s6+$0xFFFFFFE0] =	vst v9  }
0x13b: {  	v9 =	vadd.s32 s8, v6;
	v10 =	vadd.s32 s8, v2;
	v11 =	vadd.s32 s8, v7;
	[tilespmem:s6+$0xFFFFFFF0] =	vst v8;
	s6 =	sadd.s32 $0x80, s6  }
0x13c: {  	v12 =	vadd.s32 s8, v3;
	v13 =	vadd.s32 s8, v0;
	v14 =	vadd.s32 s8, v1;
	[tilespmem:s6+$0x0] =	vst v11  }
.Ltmp5:
0x13d: {  	v8 =	vadd.s32 s8, v5;
	[tilespmem:s6+$0xFFFFFF90] =	vst v9;
	v9 =	vadd.s32 s8, v4;
	(pc) =	sbr.rel @p0 .LBB2_12-.Ltmp5, $4  }
0x13e: {  	[tilespmem:s6+$0xFFFFFFA0] =	vst v10  }
0x13f: {  	[tilespmem:s6+$0xFFFFFFB0] =	vst v12  }
0x140: {  	s7 =	sadd.s32 $0x80, s7;
	[tilespmem:s6+$0xFFFFFFC0] =	vst v13  }
0x141: {  	s30 =	sand.u32 $0x1800000, s28;
	s28 =	sadd.s32 $0x100000, s28;
	s8 =	sand.u32 $0x380, s7;
	[tilespmem:s6+$0xFFFFFFD0] =	vst v14  }
0x142: {  	s7 =	sor.u32 s8, s30;
	[tilespmem:s6+$0xFFFFFFE0] =	vst v9  }
0x143: {  	[tilespmem:s6+$0xFFFFFFF0] =	vst v8;
	s8 =	sadd.s32 $0x80, s6;
	v7 =	vadd.s32 s7, v7  }
0x144: {  	v6 =	vadd.s32 s7, v6;
	[tilespmem:s8+$0x0] =	vst v7  }
0x145: {  	v2 =	vadd.s32 s7, v2;
	[tilespmem:s8+$0xFFFFFF90] =	vst v6  }
0x146: {  	v3 =	vadd.s32 s7, v3;
	[tilespmem:s8+$0xFFFFFFA0] =	vst v2  }
0x147: {  	v0 =	vadd.s32 s7, v0;
	[tilespmem:s8+$0xFFFFFFB0] =	vst v3  }
0x148: {  	v1 =	vadd.s32 s7, v1;
	[tilespmem:s8+$0xFFFFFFC0] =	vst v0  }
0x149: {  	v0 =	vadd.s32 s7, v4;
	[tilespmem:s8+$0xFFFFFFD0] =	vst v1  }
0x14a: {  	v1 =	vadd.s32 s7, v5;
	[tilespmem:s8+$0xFFFFFFE0] =	vst v0  }
0x14b: {  	s30 =	simm.s32 $0x4A00;
	s28 =	simm.s32 $0x0;
	[tilespmem:s8+$0xFFFFFFF0] =	vst v1  }
0x14c: {  	[tilespmem:s0], [sflag:$0x4] =	stream.indirect.gather [hbm4b:s1+s25], $0x1, s30, s25, $0xb8;
	[tilespmem:$0xAA00] =	vst v63  }
0x14d: {  	v1 =	vld [tilespmem:s28+$0x1F80]  }
0x14e: {  	v0 =	vld [tilespmem:s28+$0x1780]  }
0x14f: {  	v2 =	vld [tilespmem:s28+$0xF80]  }
0x150: {  	v3 =	vld [tilespmem:s28+$0x580]  }
0x151: {  	v4 =	vld [tilespmem:s28+$0x180]  }
0x152: {  	v5 =	vld [tilespmem:s28+$0x380]  }
0x153: {  	v6 =	vld [tilespmem:s28+$0x780]  }
0x154: {  	v7 =	vld [tilespmem:s28+$0x980]  }
0x155: {  	v8 =	vld [tilespmem:s28+$0xB80]  }
0x156: {  	v9 =	vld [tilespmem:s28+$0xD80]  }
0x157: {  	v10 =	vld [tilespmem:s28+$0x1180];
	v4 =	vshll.u32 v4, $0x2;
	v5 =	vshll.u32 v5, $0x1  }
0x158: {  	v4 =	vadd.s32 v4, v5;
	v5 =	vld [tilespmem:s28+$0x1380]  }
0x159: {  	v3 =	vadd.s32 v3, v4;
	v4 =	vshll.u32 v6, $0x3;
	v6 =	vshll.u32 v7, $0x2;
	v7 =	vld [tilespmem:s28+$0x1580]  }
0x15a: {  	v3 =	vshll.u32 v3, $0x4;
	v4 =	vadd.s32 v6, v4;
	v6 =	vshll.u32 v8, $0x1;
	v8 =	vld [tilespmem:s28+$0x1980]  }
0x15b: {  	v3 =	vadd.s32 v4, v3;
	v4 =	vadd.s32 v6, v9;
	v6 =	vld [tilespmem:s28+$0x1B80]  }
0x15c: {  	v61 =	vld [tilespmem:s28+$0x1D80];
	v2 =	vshll.u32 v2, $0x3;
	v3 =	vadd.s32 v3, v4;
	v4 =	vshll.u32 v10, $0x2  }
0x15d: {  	v3 =	vshll.u32 v3, $0x4;
	v2 =	vadd.s32 v4, v2;
	v4 =	vshll.u32 v5, $0x1;
	v5 =	vld [tilespmem:s28+$0x2180]  }
0x15e: {  	v2 =	vadd.s32 v2, v3;
	v3 =	vadd.s32 v4, v7;
	v7 =	vld [tilespmem:s28+$0x2380]  }
0x15f: {  	v0 =	vshll.u32 v0, $0x3;
	v2 =	vadd.s32 v2, v3;
	v3 =	vshll.u32 v8, $0x2;
	v8 =	vld [tilespmem:s28+$0x2580]  }
0x160: {  	s6 =	simm.s32 $0x10;
	v4 =	vld [tilespmem:s28+$0x2780];
	v62 =	vshll.u32 v2, $0x4;
	v0 =	vadd.s32 v3, v0;
	v3 =	vshll.u32 v6, $0x1  }
0x161: {  	v2 =	vld [tilespmem:s6+$0x1F80];
	v6 =	vadd.s32 v0, v62;
	v3 =	vadd.s32 v3, v61  }
0x162: {  	v0 =	vld [tilespmem:s6+$0x1780];
	v3 =	vadd.s32 v6, v3;
	v6 =	vshll.u32 v1, $0x3;
	v5 =	vshll.u32 v5, $0x2  }
0x163: {  	v1 =	vld [tilespmem:s6+$0xF80];
	v63 =	vshll.u32 v3, $0x4;
	v5 =	vadd.s32 v5, v6;
	v6 =	vshll.u32 v7, $0x1  }
0x164: {  	v3 =	vld [tilespmem:s6+$0x580];
	v7 =	vadd.s32 v5, v63;
	v6 =	vadd.s32 v6, v8  }
0x165: {  	s7 =	simm.s32 $0x80;
	v5 =	vld [tilespmem:s6+$0x180];
	v6 =	vadd.s32 v7, v6  }
.LBB2_14:
0x166: {  	p0 =	sne.s32 s7, $0x1C0;
	v7 =	vld [tilespmem:s6+$0x380];
	v6 =	vshll.u32 v6, $0x1;
	v8 =	vmov v2  }
0x167: {  	v2 =	vld [tilespmem:s6+$0x780];
	v4 =	vadd.s32 v4, v6  }
0x168: {  	v6 =	vld [tilespmem:s6+$0x980];
	v9 =	vshll.u32 v4, $0x3  }
0x169: {  	v4 =	vand.u32 $0x7F, v4;
	v10 =	vld [tilespmem:s6+$0xB80];
	v9 =	vand.u32 $0xFFFFFC00, v9  }
0x16a: {  	v11 =	vld [tilespmem:s6+$0xD80];
	v4 =	vor.u32 v4, v9  }
0x16b: {  	v5 =	vshll.u32 v5, $0x2;
	v7 =	vshll.u32 v7, $0x1;
	v9 =	vld [tilespmem:s6+$0x1180];
	[tilespmem:s28+$0x2980] =	vst v4;
	s28 =	smov.u32 s6  }
0x16c: {  	v4 =	vadd.s32 v5, v7;
	v5 =	vld [tilespmem:s28+$0x1380]  }
0x16d: {  	v2 =	vshll.u32 v2, $0x3;
	v3 =	vadd.s32 v3, v4;
	v4 =	vshll.u32 v6, $0x2;
	v6 =	vld [tilespmem:s28+$0x1580]  }
0x16e: {  	v3 =	vshll.u32 v3, $0x4;
	v2 =	vadd.s32 v4, v2;
	v4 =	vshll.u32 v10, $0x1;
	v7 =	vld [tilespmem:s28+$0x1980]  }
0x16f: {  	v2 =	vadd.s32 v2, v3;
	v3 =	vadd.s32 v4, v11;
	v4 =	vld [tilespmem:s28+$0x1B80]  }
0x170: {  	v1 =	vshll.u32 v1, $0x3;
	v2 =	vadd.s32 v2, v3;
	v3 =	vshll.u32 v9, $0x2;
	v9 =	vld [tilespmem:s28+$0x1D80]  }
0x171: {  	v2 =	vshll.u32 v2, $0x4;
	v1 =	vadd.s32 v3, v1;
	v3 =	vshll.u32 v5, $0x1;
	v5 =	vld [tilespmem:s28+$0x2180]  }
0x172: {  	v1 =	vadd.s32 v1, v2;
	v2 =	vadd.s32 v3, v6;
	v3 =	vld [tilespmem:s28+$0x2380]  }
0x173: {  	v0 =	vshll.u32 v0, $0x3;
	v1 =	vadd.s32 v1, v2;
	v2 =	vshll.u32 v7, $0x2;
	v6 =	vld [tilespmem:s28+$0x2580]  }
0x174: {  	s6 =	sshra.s32 s7, $0x2;
	v1 =	vshll.u32 v1, $0x4;
	v0 =	vadd.s32 v2, v0;
	v7 =	vshll.u32 v4, $0x1;
	v4 =	vld [tilespmem:s28+$0x2780]  }
.Ltmp6:
0x175: {  	v2 =	vld [tilespmem:s6+$0x1F80];
	v1 =	vadd.s32 v0, v1;
	v7 =	vadd.s32 v7, v9;
	(pc) =	sbr.rel @p0 .LBB2_14-.Ltmp6, $4  }
0x176: {  	v8 =	vshll.u32 v8, $0x3;
	v0 =	vld [tilespmem:s6+$0x1780];
	v7 =	vadd.s32 v1, v7;
	v5 =	vshll.u32 v5, $0x2  }
0x177: {  	v1 =	vld [tilespmem:s6+$0xF80];
	v7 =	vshll.u32 v7, $0x4;
	v5 =	vadd.s32 v5, v8;
	v8 =	vshll.u32 v3, $0x1  }
0x178: {  	v3 =	vld [tilespmem:s6+$0x580];
	v7 =	vadd.s32 v5, v7;
	v6 =	vadd.s32 v8, v6  }
0x179: {  	s7 =	sadd.s32 $0x40, s7;
	v5 =	vld [tilespmem:s6+$0x180];
	v6 =	vadd.s32 v7, v6  }
0x17a: {  	v7 =	vld [tilespmem:s6+$0x380];
	v6 =	vshll.u32 v6, $0x1  }
0x17b: {  	v8 =	vld [tilespmem:s6+$0x780];
	v4 =	vadd.s32 v4, v6  }
0x17c: {  	v6 =	vld [tilespmem:s6+$0x980];
	v9 =	vshll.u32 v4, $0x3  }
0x17d: {  	v10 =	vld [tilespmem:s6+$0xB80];
	v4 =	vand.u32 $0x7F, v4;
	v9 =	vand.u32 $0xFFFFFC00, v9  }
0x17e: {  	v11 =	vld [tilespmem:s6+$0xD80];
	v4 =	vor.u32 v4, v9  }
0x17f: {  	v9 =	vld [tilespmem:s6+$0x1180];
	v5 =	vshll.u32 v5, $0x2;
	v7 =	vshll.u32 v7, $0x1;
	[tilespmem:s28+$0x2980] =	vst v4  }
0x180: {  	v4 =	vadd.s32 v5, v7;
	v5 =	vld [tilespmem:s6+$0x1380]  }
0x181: {  	v6 =	vshll.u32 v6, $0x2;
	v7 =	vld [tilespmem:s6+$0x1580];
	v3 =	vadd.s32 v3, v4;
	v4 =	vshll.u32 v8, $0x3  }
0x182: {  	v8 =	vld [tilespmem:s6+$0x1980];
	v3 =	vshll.u32 v3, $0x4;
	v4 =	vadd.s32 v6, v4;
	v6 =	vshll.u32 v10, $0x1  }
0x183: {  	v3 =	vadd.s32 v4, v3;
	v4 =	vadd.s32 v6, v11;
	v6 =	vld [tilespmem:s6+$0x1B80]  }
0x184: {  	v1 =	vshll.u32 v1, $0x3;
	v3 =	vadd.s32 v3, v4;
	v4 =	vshll.u32 v9, $0x2;
	v9 =	vld [tilespmem:s6+$0x1D80]  }
0x185: {  	v3 =	vshll.u32 v3, $0x4;
	v1 =	vadd.s32 v4, v1;
	v4 =	vshll.u32 v5, $0x1;
	v5 =	vld [tilespmem:s6+$0x2180]  }
0x186: {  	v1 =	vadd.s32 v1, v3;
	v3 =	vadd.s32 v4, v7;
	v4 =	vld [tilespmem:s6+$0x2380]  }
0x187: {  	v0 =	vshll.u32 v0, $0x3;
	v7 =	vld [tilespmem:s6+$0x2580];
	v1 =	vadd.s32 v1, v3;
	v3 =	vshll.u32 v8, $0x2  }
0x188: {  	v1 =	vshll.u32 v1, $0x4;
	v0 =	vadd.s32 v3, v0;
	v3 =	vshll.u32 v6, $0x1  }
0x189: {  	v0 =	vadd.s32 v0, v1;
	v1 =	vadd.s32 v3, v9  }
0x18a: {  	v3 =	vld [tilespmem:s6+$0x2780];
	v0 =	vadd.s32 v0, v1;
	v1 =	vshll.u32 v2, $0x3;
	v2 =	vshll.u32 v5, $0x2  }
0x18b: {  	v0 =	vshll.u32 v0, $0x4;
	v1 =	vadd.s32 v2, v1;
	v2 =	vshll.u32 v4, $0x1  }
0x18c: {  	v0 =	vadd.s32 v1, v0;
	v1 =	vadd.s32 v2, v7  }
0x18d: {  	v0 =	vadd.s32 v0, v1  }
0x18e: {  	v0 =	vshll.u32 v0, $0x1  }
0x18f: {  	v0 =	vadd.s32 v3, v0  }
0x190: {  	v1 =	vshll.u32 v0, $0x3  }
0x191: {  	v0 =	vand.u32 $0x7F, v0;
	v1 =	vand.u32 $0xFFFFFC00, v1  }
0x192: {  	v0 =	vor.u32 v0, v1  }
0x193: {  	[tilespmem:s6+$0x2980] =	vst v0  }
0x194: {  	v6 =	vld [tilespmem:$0x2980]  }
0x195: {  	v7 =	vld [tilespmem:$0x29F0]  }
0x196: {  	v2 =	vld [tilespmem:$0x2990]  }
0x197: {  	s8 =	simm.s32 $0x0;
	v1 =	vld [tilespmem:$0x29C0]  }
0x198: {  	s7 =	sand.u32 $0x1800000, s8;
	s6 =	sand.u32 $0x380, s8;
	v3 =	vld [tilespmem:$0x29A0]  }
0x199: {  	v0 =	vld [tilespmem:$0x29B0];
	s8 =	sor.u32 s6, s7  }
0x19a: {  	v4 =	vld [tilespmem:$0x29D0];
	s6 =	simm.s32 $0x5A70;
	v8 =	vadd.s32 s8, v7  }
0x19b: {  	v5 =	vld [tilespmem:$0x29E0];
	v9 =	vadd.s32 s8, v6;
	[tilespmem:s6+$0x0] =	vst v8  }
0x19c: {  	v10 =	vadd.s32 s8, v1;
	[tilespmem:s6+$0xFFFFFF90] =	vst v9  }
0x19d: {  	v8 =	vadd.s32 s8, v2;
	[tilespmem:s6+$0xFFFFFFD0] =	vst v10  }
0x19e: {  	v9 =	vadd.s32 s8, v3;
	[tilespmem:s6+$0xFFFFFFA0] =	vst v8  }
0x19f: {  	s28 =	simm.s32 $0x100000;
	s7 =	simm.s32 $0x80;
	v8 =	vadd.s32 s8, v0;
	[tilespmem:s6+$0xFFFFFFB0] =	vst v9  }
0x1a0: {  	s30 =	sand.u32 $0x1800000, s28;
	s28 =	simm.s32 $0x200000;
	v9 =	vadd.s32 s8, v4;
	[tilespmem:s6+$0xFFFFFFC0] =	vst v8;
	v8 =	vadd.s32 s8, v5;
	s8 =	sand.u32 $0x380, s7  }
.LBB2_16:
0x1a1: {  	p0 =	sne.s32 s28, $0x1F00000;
	s8 =	sor.u32 s8, s30;
	[tilespmem:s6+$0xFFFFFFE0] =	vst v9  }
0x1a2: {  	v9 =	vadd.s32 s8, v6;
	v10 =	vadd.s32 s8, v2;
	v11 =	vadd.s32 s8, v7;
	[tilespmem:s6+$0xFFFFFFF0] =	vst v8;
	s6 =	sadd.s32 $0x80, s6  }
0x1a3: {  	v12 =	vadd.s32 s8, v3;
	v13 =	vadd.s32 s8, v0;
	v14 =	vadd.s32 s8, v1;
	[tilespmem:s6+$0x0] =	vst v11  }
.Ltmp7:
0x1a4: {  	v8 =	vadd.s32 s8, v5;
	[tilespmem:s6+$0xFFFFFF90] =	vst v9;
	v9 =	vadd.s32 s8, v4;
	(pc) =	sbr.rel @p0 .LBB2_16-.Ltmp7, $4  }
0x1a5: {  	[tilespmem:s6+$0xFFFFFFA0] =	vst v10  }
0x1a6: {  	[tilespmem:s6+$0xFFFFFFB0] =	vst v12  }
0x1a7: {  	s7 =	sadd.s32 $0x80, s7;
	[tilespmem:s6+$0xFFFFFFC0] =	vst v13  }
0x1a8: {  	s30 =	sand.u32 $0x1800000, s28;
	s28 =	sadd.s32 $0x100000, s28;
	s8 =	sand.u32 $0x380, s7;
	[tilespmem:s6+$0xFFFFFFD0] =	vst v14  }
0x1a9: {  	s7 =	sor.u32 s8, s30;
	[tilespmem:s6+$0xFFFFFFE0] =	vst v9  }
0x1aa: {  	[tilespmem:s6+$0xFFFFFFF0] =	vst v8;
	s8 =	sadd.s32 $0x80, s6;
	v7 =	vadd.s32 s7, v7  }
0x1ab: {  	v6 =	vadd.s32 s7, v6;
	[tilespmem:s8+$0x0] =	vst v7  }
0x1ac: {  	v2 =	vadd.s32 s7, v2;
	[tilespmem:s8+$0xFFFFFF90] =	vst v6  }
0x1ad: {  	v3 =	vadd.s32 s7, v3;
	[tilespmem:s8+$0xFFFFFFA0] =	vst v2  }
0x1ae: {  	v0 =	vadd.s32 s7, v0;
	[tilespmem:s8+$0xFFFFFFB0] =	vst v3  }
0x1af: {  	v1 =	vadd.s32 s7, v1;
	[tilespmem:s8+$0xFFFFFFC0] =	vst v0  }
0x1b0: {  	v62 =	vadd.s32 s7, v4;
	[tilespmem:s8+$0xFFFFFFD0] =	vst v1  }
0x1b1: {  	v63 =	vadd.s32 s7, v5;
	[tilespmem:s8+$0xFFFFFFE0] =	vst v62  }
0x1b2: {  	s28 =	simm.s32 $0x5A00;
	[tilespmem:s8+$0xFFFFFFF0] =	vst v63  }
0x1b3: {  	[tilespmem:s22], [sflag:$0x5] =	stream.indirect.gather [hbm4b:s1+s25], $0x1, s28, s25, $0xb8;
	[tilespmem:$0xAA00] =	vst v63  }
0x1b4: {  	_ =	swait.ge [sflag:s23], $0x1000  }
0x1b5: {  	[sflag:s23] =	ssyncset.done $0x0  }
0x1b6: {  	s30 =	simm.s32 $0x6A00;
	[sflag:s23] =	ssyncadd.s32 $0xFFFFF000  }
0x1b7: {  	[hbm4b:s4+s3] =	stream.linear.scatter [tilespmem:s30], [sflag:$0x1], $0x400, $0x38;
	[tilespmem:$0xAA00] =	vst v63  }
0x1b8: {  	s8 =	simm.s32 $0x6E00;
	s7 =	rddreg [dreg:$0x5]  }
0x1b9: {  	[hbm4b:s7+s3] =	stream.linear.scatter [tilespmem:s8], [sflag:$0x1], $0x400, $0x38;
	[tilespmem:$0xAA00] =	vst v63  }
0x1ba: {  	s28 =	rddreg [dreg:$0x6];
	s30 =	simm.s32 $0x7200  }
0x1bb: {  	[hbm4b:s28+s3] =	stream.linear.scatter [tilespmem:s30], [sflag:$0x1], $0x400, $0x38;
	[tilespmem:$0xAA00] =	vst v63  }
0x1bc: {  	s7 =	rddreg [dreg:$0x7];
	s8 =	simm.s32 $0x7600  }
0x1bd: {  	[hbm4b:s7+s3] =	stream.linear.scatter [tilespmem:s8], [sflag:$0x1], $0x400, $0x38;
	[tilespmem:$0xAA00] =	vst v63  }
0x1be: {  	_ =	swait.ge [sflag:s2], $0x1000  }
0x1bf: {  	[sflag:s2] =	ssyncset.done $0x0  }
0x1c0: {  	s28 =	simm.s32 $0x7A00;
	[sflag:s2] =	ssyncadd.s32 $0xFFFFF000  }
0x1c1: {  	[hbm4b:s9+s3] =	stream.linear.scatter [tilespmem:s28], [sflag:$0x1], $0x400, $0x38;
	[tilespmem:$0xAA00] =	vst v63  }
0x1c2: {  	s30 =	simm.s32 $0x7E00  }
0x1c3: {  	[hbm4b:s10+s3] =	stream.linear.scatter [tilespmem:s30], [sflag:$0x1], $0x400, $0x38;
	[tilespmem:$0xAA00] =	vst v63  }
0x1c4: {  	s7 =	simm.s32 $0x8200  }
0x1c5: {  	[hbm4b:s11+s3] =	stream.linear.scatter [tilespmem:s7], [sflag:$0x1], $0x400, $0x38;
	[tilespmem:$0xAA00] =	vst v63  }
0x1c6: {  	s8 =	simm.s32 $0x8600  }
0x1c7: {  	[hbm4b:s12+s3] =	stream.linear.scatter [tilespmem:s8], [sflag:$0x1], $0x400, $0x38;
	[tilespmem:$0xAA00] =	vst v63  }
0x1c8: {  	_ =	swait.ge [sflag:s26], $0x1000  }
0x1c9: {  	[sflag:s26] =	ssyncset.done $0x0  }
0x1ca: {  	[sflag:s26] =	ssyncadd.s32 $0xFFFFF000  }
0x1cb: {  	[hbm4b:s13+s3] =	stream.linear.scatter [tilespmem:s0], [sflag:$0x1], $0x400, $0x38;
	[tilespmem:$0xAA00] =	vst v63  }
0x1cc: {  	s28 =	simm.s32 $0x8E00  }
0x1cd: {  	[hbm4b:s14+s3] =	stream.linear.scatter [tilespmem:s28], [sflag:$0x1], $0x400, $0x38;
	[tilespmem:$0xAA00] =	vst v63  }
0x1ce: {  	s30 =	simm.s32 $0x9200  }
0x1cf: {  	[hbm4b:s15+s3] =	stream.linear.scatter [tilespmem:s30], [sflag:$0x1], $0x400, $0x38;
	[tilespmem:$0xAA00] =	vst v63  }
0x1d0: {  	s7 =	simm.s32 $0x9600  }
0x1d1: {  	[hbm4b:s16+s3] =	stream.linear.scatter [tilespmem:s7], [sflag:$0x1], $0x400, $0x38;
	[tilespmem:$0xAA00] =	vst v63  }
0x1d2: {  	_ =	swait.ge [sflag:s31], $0x1000  }
0x1d3: {  	[sflag:s31] =	ssyncset.done $0x0  }
0x1d4: {  	[sflag:s31] =	ssyncadd.s32 $0xFFFFF000  }
0x1d5: {  	[hbm4b:s17+s3] =	stream.linear.scatter [tilespmem:s22], [sflag:$0x1], $0x400, $0x38;
	[tilespmem:$0xAA00] =	vst v63  }
0x1d6: {  	s8 =	simm.s32 $0x9E00  }
0x1d7: {  	[hbm4b:s18+s3] =	stream.linear.scatter [tilespmem:s8], [sflag:$0x1], $0x400, $0x38;
	[tilespmem:$0xAA00] =	vst v63  }
0x1d8: {  	s28 =	simm.s32 $0xA200  }
0x1d9: {  	[hbm4b:s19+s3] =	stream.linear.scatter [tilespmem:s28], [sflag:$0x1], $0x400, $0x38;
	[tilespmem:$0xAA00] =	vst v63  }
0x1da: {  	s30 =	simm.s32 $0xA600  }
0x1db: {  	[hbm4b:s20+s3] =	stream.linear.scatter [tilespmem:s30], [sflag:$0x1], $0x400, $0x38;
	[tilespmem:$0xAA00] =	vst v63  }
0x1dc: {  	_ =	swait.ge [sflag:s29], $0x400  }
0x1dd: {  	[sflag:s29] =	ssyncset.done $0x0  }
0x1de: {  	[sflag:s29] =	ssyncadd.s32 $0xFFFFFC00  }
0x1df: {  	_ =	swait.ge [sflag:s29], $0x400  }
0x1e0: {  	[sflag:s29] =	ssyncset.done $0x0  }
0x1e1: {  	[sflag:s29] =	ssyncadd.s32 $0xFFFFFC00  }
0x1e2: {  	_ =	swait.ge [sflag:s29], $0x400  }
0x1e3: {  	[sflag:s29] =	ssyncset.done $0x0  }
0x1e4: {  	[sflag:s29] =	ssyncadd.s32 $0xFFFFFC00  }
0x1e5: {  	_ =	swait.ge [sflag:s29], $0x400  }
0x1e6: {  	[sflag:s29] =	ssyncset.done $0x0  }
0x1e7: {  	[sflag:s29] =	ssyncadd.s32 $0xFFFFFC00  }
0x1e8: {  	_ =	swait.ge [sflag:s29], $0x400  }
0x1e9: {  	[sflag:s29] =	ssyncset.done $0x0  }
0x1ea: {  	[sflag:s29] =	ssyncadd.s32 $0xFFFFFC00  }
0x1eb: {  	_ =	swait.ge [sflag:s29], $0x400  }
0x1ec: {  	[sflag:s29] =	ssyncset.done $0x0  }
0x1ed: {  	[sflag:s29] =	ssyncadd.s32 $0xFFFFFC00  }
0x1ee: {  	_ =	swait.ge [sflag:s29], $0x400  }
0x1ef: {  	[sflag:s29] =	ssyncset.done $0x0  }
0x1f0: {  	[sflag:s29] =	ssyncadd.s32 $0xFFFFFC00  }
0x1f1: {  	_ =	swait.ge [sflag:s29], $0x400  }
0x1f2: {  	[sflag:s29] =	ssyncset.done $0x0  }
0x1f3: {  	[sflag:s29] =	ssyncadd.s32 $0xFFFFFC00  }
0x1f4: {  	_ =	swait.ge [sflag:s29], $0x400  }
0x1f5: {  	[sflag:s29] =	ssyncset.done $0x0  }
0x1f6: {  	[sflag:s29] =	ssyncadd.s32 $0xFFFFFC00  }
0x1f7: {  	_ =	swait.ge [sflag:s29], $0x400  }
0x1f8: {  	[sflag:s29] =	ssyncset.done $0x0  }
0x1f9: {  	[sflag:s29] =	ssyncadd.s32 $0xFFFFFC00  }
0x1fa: {  	_ =	swait.ge [sflag:s29], $0x400  }
0x1fb: {  	[sflag:s29] =	ssyncset.done $0x0  }
0x1fc: {  	[sflag:s29] =	ssyncadd.s32 $0xFFFFFC00  }
0x1fd: {  	_ =	swait.ge [sflag:s29], $0x400  }
0x1fe: {  	[sflag:s29] =	ssyncset.done $0x0  }
0x1ff: {  	[sflag:s29] =	ssyncadd.s32 $0xFFFFFC00  }
0x200: {  	_ =	swait.ge [sflag:s29], $0x400  }
0x201: {  	[sflag:s29] =	ssyncset.done $0x0  }
0x202: {  	[sflag:s29] =	ssyncadd.s32 $0xFFFFFC00  }
0x203: {  	_ =	swait.ge [sflag:s29], $0x400  }
0x204: {  	[sflag:s29] =	ssyncset.done $0x0  }
0x205: {  	s5 =	sadd.s32 $0x1, s5;
	[sflag:s29] =	ssyncadd.s32 $0xFFFFFC00  }
0x206: {  	p0 =	sne.s32 s5, s21;
	_ =	swait.ge [sflag:s29], $0x400  }
.Ltmp8:
0x207: {  	[sflag:s29] =	ssyncset.done $0x0;
	(pc) =	sbr.rel @p0 .LBB2_1-.Ltmp8, $4  }
0x208: {  	[sflag:s29] =	ssyncadd.s32 $0xFFFFFC00  }
0x209: {  	_ =	swait.ge [sflag:s29], $0x400  }
0x20a: {  	[sflag:s29] =	ssyncset.done $0x0  }
0x20b: {  	[sflag:s29] =	ssyncadd.s32 $0xFFFFFC00  }
0x20c: {  	_ =	sfence.sel $0x180000  }
0x20d: {  	[bflag:$0x0] =	sbarrier.arrive $0xFFFF  }
0x20e: {  	_ =	strace $0x90000047  }
0x20f: {  	s0 =	stileid.u32;
	[bflag:$0x2] =	sbarrier.arrive $0xFFFF  }
0x210: {  	p0 =	sne.s32 s0, $0x0;
	s0 =	rddreg [dreg:$0x3]  }
0x211: {  	s0 =	sadd.s32 @!p0 $0x100000, s0  }
0x212: {  	[sflag:s0] =	ssyncadd.tile.s32 @!p0 $0x1;
	_ =	shalt  }
.Lfunc_end2:
_tile_overlayer_lowered:
.L_overlay_start_2:
0x213: {  	(tag) =	ssettag $0x2  }
0x214: {  	s0 =	rddreg [dreg:$0x0];
	s2 =	stileid.u32  }
0x215: {  	s1 =	rddreg [dreg:$0x1];
	p0 =	sne.s32 s2, $0x0  }
0x216: {  	s3 =	rddreg [dreg:$0x2];
	[bflag:$0x3] =	sbarrier.arrive $0xFFFF;
	s2 =	simm.s32 @!p0 $0x1C06  }
0x217: {  	[timem:s3], [sflag:s2] =	dma.local @!p0 [hbm:s0], s1  }
0x218: {  	s0 =	simm.s32 @!p0 $0x6  }
0x219: {  	_ =	swait.ge @!p0 [sflag:s0], s1  }
0x21a: {  	s1 =	ssub.s32 @!p0 $0x0, s1;
	[sflag:s0] =	ssyncset.done @!p0 $0x0  }
0x21b: {  	[sflag:s0] =	ssyncadd.s32 @!p0 s1  }
0x21c: {  	[bflag:$0x3] =	sbarrier.arrive $0xFFFF  }
0x21d: {  	_ =	shalt  }

</sc_bundles>
